<compile_context>
chip_gen: v7x
topology: tpu7x:2x2x1
jax: 0.10.2.dev20260603
libtpu: 0.0.44.dev20260713+nightly
codegen_flags: <defaults>
</compile_context>

<pallas_src>
import functools

import jax
import jax.numpy as jnp
from jax import lax
from jax.experimental import pallas as pl
from jax.experimental.pallas import tpu as pltpu
from jax.experimental.pallas import tpu_sc as plsc

N = 10000
HIDDEN = 256
EMB = 8
K = 16
E = N * K

RA = 1000
RB = 400
RF = 200


def _mlp_body(x_ref,
              spW0, spb0, spW1, spb1, spW2, spb2,
              mW0, mb0, mW1, mb1, mW2, mb2,
              sp_ref, m_ref):
    x = x_ref[...]
    mean = jnp.mean(x, axis=1, keepdims=True)
    h = jnp.concatenate([x, mean], axis=1)

    a = jnp.maximum(jnp.dot(h, spW0[...], preferred_element_type=jnp.float32)
                    + spb0[...], 0.0)
    a = jnp.maximum(jnp.dot(a, spW1[...], preferred_element_type=jnp.float32)
                    + spb1[...], 0.0)
    sp_ref[...] = (jnp.dot(a, spW2[...], preferred_element_type=jnp.float32)
                   + spb2[...])

    c = jnp.maximum(jnp.dot(h, mW0[...], preferred_element_type=jnp.float32)
                    + mb0[...], 0.0)
    c = jnp.maximum(jnp.dot(c, mW1[...], preferred_element_type=jnp.float32)
                    + mb1[...], 0.0)
    m = jnp.dot(c, mW2[...], preferred_element_type=jnp.float32) + mb2[...]
    m_ref[...] = jax.nn.sigmoid(m)


def _node_mlps(hidden, spW0, spb0, spW1, spb1, spW2, spb2,
               mW0, mb0, mW1, mb1, mW2, mb2):
    nblk = N // RA
    full = lambda shape: pl.BlockSpec(shape, lambda i: tuple(0 for _ in shape))
    wspecs = [full(w.shape) for w in
              (spW0, spb0, spW1, spb1, spW2, spb2,
               mW0, mb0, mW1, mb1, mW2, mb2)]
    return pl.pallas_call(
        _mlp_body,
        grid=(nblk,),
        in_specs=[pl.BlockSpec((RA, HIDDEN), lambda i: (i, 0))] + wspecs,
        out_specs=[
            pl.BlockSpec((RA, EMB), lambda i: (i, 0)),
            pl.BlockSpec((RA, 1), lambda i: (i, 0)),
        ],
        out_shape=[
            jax.ShapeDtypeStruct((N, EMB), jnp.float32),
            jax.ShapeDtypeStruct((N, 1), jnp.float32),
        ],
        compiler_params=pltpu.CompilerParams(
            dimension_semantics=("arbitrary",)),
    )(hidden, spW0, spb0, spW1, spb1, spW2, spb2,
      mW0, mb0, mW1, mb1, mW2, mb2)


def _knn_body(spb_ref, spf_ref, nbr_ref, dval_ref):
    spb = spb_ref[...]
    spf = spf_ref[...]
    bsq = jnp.sum(spb * spb, axis=1, keepdims=True)
    sq = jnp.sum(spf * spf, axis=1)[None, :]
    prod = lax.dot_general(spb, spf, (((1,), (1,)), ((), ())),
                           preferred_element_type=jnp.float32)
    d2 = (bsq + sq) - 2.0 * prod

    cols = lax.broadcasted_iota(jnp.int32, (RB, N), 1)
    lane = lax.broadcasted_iota(jnp.int32, (RB, K), 1)
    inf = jnp.float32(jnp.inf)
    big = jnp.int32(N)

    zero = jnp.int32(0)

    def step(k, carry):
        vlast, pend, nbrc, dvalc = carry
        v = jnp.min(jnp.where(d2 > vlast, d2, inf), axis=1, keepdims=True)
        eq = d2 == v
        idx = jnp.min(jnp.where(eq, cols, big), axis=1, keepdims=True)
        csum = jnp.sum(jnp.where(eq, cols, zero), axis=1, keepdims=True)
        c2 = csum - idx
        has_pend = pend > 0
        emit_v = jnp.where(has_pend, vlast, v)
        emit_c = jnp.where(has_pend, pend, idx)
        pend = jnp.where(has_pend, zero, c2)
        nbrc = jnp.where(lane == k, emit_c, nbrc)
        dvalc = jnp.where(lane == k, emit_v, dvalc)
        return emit_v, pend, nbrc, dvalc

    _, _, nbrc, dvalc = lax.fori_loop(
        0, K, step,
        (jnp.full((RB, 1), -inf), jnp.zeros((RB, 1), jnp.int32),
         jnp.zeros((RB, K), jnp.int32), jnp.zeros((RB, K), jnp.float32)))
    nbr_ref[...] = nbrc
    dval_ref[...] = dvalc


def _knn(sp):
    nblk = N // RB
    return pl.pallas_call(
        _knn_body,
        grid=(nblk,),
        in_specs=[
            pl.BlockSpec((RB, EMB), lambda i: (i, 0)),
            pl.BlockSpec((N, EMB), lambda i: (0, 0)),
        ],
        out_specs=[
            pl.BlockSpec((RB, K), lambda i: (i, 0)),
            pl.BlockSpec((RB, K), lambda i: (i, 0)),
        ],
        out_shape=[
            jax.ShapeDtypeStruct((N, K), jnp.int32),
            jax.ShapeDtypeStruct((N, K), jnp.float32),
        ],
        compiler_params=pltpu.CompilerParams(
            dimension_semantics=("arbitrary",)),
    )(sp, sp)


_SC_NW = 32
_SC_BPW = E // _SC_NW
_SC_CH = 200


def _sc_gather_body(h_hbm, idx_hbm, hg_hbm, idx_v, hbuf, sem):
    wid = lax.axis_index("s") * 2 + lax.axis_index("c")
    base = wid * _SC_BPW
    pltpu.sync_copy(idx_hbm.at[pl.ds(base, _SC_BPW)], idx_v)

    @pl.loop(0, _SC_BPW, step=_SC_CH)
    def _(c0):
        pltpu.async_copy(h_hbm.at[idx_v.at[pl.ds(c0, _SC_CH)]],
                         hbuf, sem).wait()
        pltpu.sync_copy(hbuf, hg_hbm.at[pl.ds(base + c0, _SC_CH)])


def _sc_gather(hidden, flat_idx):
    mesh = plsc.VectorSubcoreMesh(core_axis_name="c", subcore_axis_name="s")
    k = functools.partial(
        pl.kernel,
        mesh=mesh,
        out_type=jax.ShapeDtypeStruct((E, HIDDEN), jnp.float32),
        scratch_types=[
            pltpu.VMEM((_SC_BPW,), jnp.int32),
            pltpu.VMEM((_SC_CH, HIDDEN), jnp.float32),
            pltpu.SemaphoreType.DMA,
        ],
    )(_sc_gather_body)
    return k(hidden, flat_idx)


def _final_body(hg_ref, dval_ref, m_ref, x_ref,
                W0a, w0am, W0h, w0hm, b0, W1, b1, out_ref):
    hg = hg_ref[...].reshape(RF, K, HIDDEN)
    d = dval_ref[...]
    w = jnp.exp(-d / m_ref[...])
    agg = jnp.sum(hg * w[:, :, None], axis=1)
    aggm = jnp.mean(agg, axis=1, keepdims=True)
    x = x_ref[...]
    mean = jnp.mean(x, axis=1, keepdims=True)
    y = (jnp.dot(agg, W0a[...], preferred_element_type=jnp.float32)
         + jnp.dot(x, W0h[...], preferred_element_type=jnp.float32)
         + aggm * w0am[...] + mean * w0hm[...] + b0[...])
    y = jnp.maximum(y, 0.0)
    y = jnp.dot(y, W1[...], preferred_element_type=jnp.float32) + b1[...]
    out_ref[...] = jnp.maximum(y, 0.0)


def _final(hg, dval, m, hidden, W0a, w0am, W0h, w0hm, b0, W1, b1):
    nblk = N // RF
    full = lambda shape: pl.BlockSpec(shape, lambda i: tuple(0 for _ in shape))
    return pl.pallas_call(
        _final_body,
        grid=(nblk,),
        in_specs=[
            pl.BlockSpec((RF * K, HIDDEN), lambda i: (i, 0)),
            pl.BlockSpec((RF, K), lambda i: (i, 0)),
            pl.BlockSpec((RF, 1), lambda i: (i, 0)),
            pl.BlockSpec((RF, HIDDEN), lambda i: (i, 0)),
            full(W0a.shape), full(w0am.shape), full(W0h.shape),
            full(w0hm.shape), full(b0.shape), full(W1.shape), full(b1.shape),
        ],
        out_specs=pl.BlockSpec((RF, HIDDEN), lambda i: (i, 0)),
        out_shape=jax.ShapeDtypeStruct((N, HIDDEN), jnp.float32),
        compiler_params=pltpu.CompilerParams(
            dimension_semantics=("arbitrary",)),
    )(hg, dval, m, hidden, W0a, w0am, W0h, w0hm, b0, W1, b1)


def kernel(hidden_features, batch, current_epoch,
           sp_W0, sp_b0, sp_W1, sp_b1, sp_W2, sp_b2,
           m_W0, m_b0, m_W1, m_b1, m_W2, m_b2,
           f_W0, f_b0, f_W1, f_b1):
    r2 = lambda b: b.reshape(1, -1)
    sp, m = _node_mlps(
        hidden_features,
        sp_W0, r2(sp_b0), sp_W1, r2(sp_b1), sp_W2, r2(sp_b2),
        m_W0, r2(m_b0), m_W1, r2(m_b1), m_W2, r2(m_b2))

    nbr, dval = _knn(sp)
    start = nbr.reshape(-1)

    hg = _sc_gather(hidden_features, start)

    W0a = f_W0[:HIDDEN]
    w0am = f_W0[HIDDEN:HIDDEN + 1]
    W0h = f_W0[HIDDEN + 1:2 * HIDDEN + 1]
    w0hm = f_W0[2 * HIDDEN + 1:]
    out = _final(hg, dval, m, hidden_features,
                 W0a, w0am, W0h, w0hm, r2(f_b0), f_W1, r2(f_b1))

    end = jnp.repeat(jnp.arange(N, dtype=start.dtype), K)
    edge_index = jnp.stack([start, end], axis=0)
    return (out, edge_index, sp)

# --- scband reference (transcript-rebuilt; emitter-appended) ---
"""Pipeline reference for scband-grav-conv-48936857371066 (READ-ONLY COPY).

The authoritative reference and input builder live on the scoring server;
editing this copy changes nothing except your own understanding.
"""

import jax, jax.numpy as jnp
import numpy as np

N = 10000
HIDDEN = 256
EMB = 8
K = 16
CHUNK = 1000


def _init_linear(key, fan_in, fan_out):
    k1, k2 = jax.random.split(key)
    lim = 1.0 / np.sqrt(fan_in)
    W = jax.random.uniform(k1, (fan_in, fan_out), minval=-lim, maxval=lim, dtype=jnp.float32)
    b = jax.random.uniform(k2, (fan_out,), minval=-lim, maxval=lim, dtype=jnp.float32)
    return W, b


def _mlp(x, params, acts):
    for (W, b), a in zip(params, acts):
        x = x @ W + b
        if a is not None:
            x = a(x)
    return x


def setup_inputs(seed: int = 0) -> dict:
    key = jax.random.key(seed)
    inp = {
        "hidden_features": jax.random.normal(jax.random.fold_in(key, 0), (N, HIDDEN), dtype=jnp.float32),
        "batch": jnp.zeros((N,), dtype=jnp.int32),
        "current_epoch": 5,
    }
    dims_sp = [(HIDDEN + 1, HIDDEN), (HIDDEN, HIDDEN), (HIDDEN, EMB)]
    dims_m = [(HIDDEN + 1, HIDDEN), (HIDDEN, HIDDEN), (HIDDEN, 1)]
    dims_f = [(2 * (HIDDEN + 1), HIDDEN), (HIDDEN, HIDDEN)]
    i = 1
    for prefix, dims in [("sp", dims_sp), ("m", dims_m), ("f", dims_f)]:
        for j, (fi, fo) in enumerate(dims):
            W, b = _init_linear(jax.random.fold_in(key, i), fi, fo)
            i += 1
            inp[prefix + "_W" + str(j)] = W
            inp[prefix + "_b" + str(j)] = b
    return inp


def _knn_edges(sp):
    # knn_graph(spatial_features, k=K, loop=True): for each center node i,
    # take K nearest neighbors (including self). Edge (j, i): source j (neighbor), target i (center).
    n = sp.shape[0]
    sq = jnp.sum(sp ** 2, axis=1)
    nbrs = []
    for s in range(0, n, CHUNK):
        block = sp[s:s + CHUNK]
        d2 = jnp.sum(block ** 2, axis=1)[:, None] + sq[None, :] - 2.0 * (block @ sp.T)
        _, idx = jax.lax.top_k(-d2, K)
        nbrs.append(idx)
    nbr = jnp.concatenate(nbrs, axis=0)  # [N, K]
    start = nbr.reshape(-1)
    end = jnp.repeat(jnp.arange(n, dtype=start.dtype), K)
    return start, end


def reference(hidden_features, batch, current_epoch,
              sp_W0, sp_b0, sp_W1, sp_b1, sp_W2, sp_b2,
              m_W0, m_b0, m_W1, m_b1, m_W2, m_b2,
              f_W0, f_b0, f_W1, f_b1):
    relu = jax.nn.relu
    # append node-feature mean as extra channel
    h = jnp.concatenate([hidden_features, hidden_features.mean(axis=1, keepdims=True)], axis=-1)
    # spatial_network (no output activation)
    sp = _mlp(h, [(sp_W0, sp_b0), (sp_W1, sp_b1), (sp_W2, sp_b2)], [relu, relu, None])
    # get_neighbors: knn only (no radius / rand_k configured)
    start, end = _knn_edges(sp)
    # attention weight: d = squared distance in embedding space
    d = jnp.sum((sp[start] - sp[end]) ** 2, axis=-1)
    # grav_level == 2: mass network with sigmoid output
    m = _mlp(h, [(m_W0, m_b0), (m_W1, m_b1), (m_W2, m_b2)], [relu, relu, jax.nn.sigmoid])
    grav_function = -d / m[end].squeeze(-1)
    d_weight = jnp.exp(grav_function)
    # grav_pooling: scatter_add of weighted source features onto targets
    agg = jnp.zeros((h.shape[0], h.shape[1]), dtype=h.dtype).at[end].add(h[start] * d_weight[:, None])
    concatenated = jnp.concatenate([agg, h], axis=-1)
    # feature_network (output_activation = hidden_activation = ReLU)
    out = _mlp(concatenated, [(f_W0, f_b0), (f_W1, f_b1)], [relu, relu])
    edge_index = jnp.stack([start, end], axis=0)
    return (out, edge_index, sp)

if __name__ == "__main__":
    import jax
    _d = setup_inputs()
    print(jax.jit(kernel)(*tuple(_d.values())))

</pallas_src>

<mosaic_0001>
#map = affine_map<(d0, d1) -> (0, 0)>
#map1 = affine_map<(d0, d1) -> (0)>
module attributes {stable_mosaic.version = 14 : i64} {
  func.func @_sc_gather_body(%arg0: i32, %arg1: i32, %arg2: memref<10000x256xf32, #tpu.memory_space<hbm>>, %arg3: memref<160000xi32, #tpu.memory_space<hbm>>, %arg4: memref<160000x256xf32, #tpu.memory_space<hbm>>, %arg5: memref<5000xi32, #tpu.memory_space<vmem>>, %arg6: memref<200x256xf32, #tpu.memory_space<vmem>>, %arg7: memref<!tpu.dma_semaphore, #tpu.memory_space<semaphore_mem>>) attributes {dimension_semantics = [#tpu.dimension_semantics<core_parallel>, #tpu.dimension_semantics<subcore_parallel>], iteration_bounds = array<i64: 2, 16>, scalar_prefetch = 0 : i64, scratch_operands = 3 : i64, tpu.core_type = #tpu.core_type<sc_vector_subcore>, window_params = [{transform_indices = #map}, {transform_indices = #map1}, {transform_indices = #map}]} {
    %mul3A = arith.constant 2 : i32
    %mul3A_0 = arith.muli %arg1, %mul3A : i32
    %add3A = arith.addi %mul3A_0, %arg0 : i32
    %mul3A_1 = arith.constant 5000 : i32
    %mul3A_2 = arith.muli %add3A, %mul3A_1 : i32
    "tpu.region"() ({
      %run_scoped3A = tpu.sem_alloc : memref<!tpu.dma_semaphore, #tpu.memory_space<semaphore_mem>>
      %dma_start3A = tpu.memref_slice %arg3[%mul3A_2] : memref<160000xi32, #tpu.memory_space<hbm>> -> memref<5000xi32, #tpu.memory_space<hbm>>
      %dma_start3A_7 = tpu.memref_slice %arg3[%mul3A_2] : memref<160000xi32, #tpu.memory_space<hbm>> -> memref<5000xi32, #tpu.memory_space<hbm>>
      tpu.enqueue_dma source(%dma_start3A_7 : memref<5000xi32, #tpu.memory_space<hbm>>) target(%arg5 : memref<5000xi32, #tpu.memory_space<vmem>>) target_semaphore(%run_scoped3A : memref<!tpu.dma_semaphore, #tpu.memory_space<semaphore_mem>>)
      %dma_wait3A = tpu.memref_slice %arg3[%mul3A_2] : memref<160000xi32, #tpu.memory_space<hbm>> -> memref<5000xi32, #tpu.memory_space<hbm>>
      %dma_wait3A_8 = tpu.memref_slice %arg3[%mul3A_2] : memref<160000xi32, #tpu.memory_space<hbm>> -> memref<5000xi32, #tpu.memory_space<hbm>>
      tpu.wait_dma2 semaphore(%run_scoped3A : memref<!tpu.dma_semaphore, #tpu.memory_space<semaphore_mem>>) src(%dma_wait3A_8 : memref<5000xi32, #tpu.memory_space<hbm>>) dst(%arg5 : memref<5000xi32, #tpu.memory_space<vmem>>)
      tpu.yield
    }) : () -> ()
    %scan3A = arith.constant 0 : i32
    %scan3A_3 = arith.constant 25 : i32
    %scan3A_4 = arith.addi %scan3A, %scan3A_3 : i32
    %scan3A_5 = arith.constant 1 : i32
    scf.for %scan3A_7 = %scan3A to %scan3A_4 step %scan3A_5  : i32 {
      %mul3A_8 = arith.constant 200 : i32
      %mul3A_9 = arith.muli %scan3A_7, %mul3A_8 : i32
      %add3A_10 = arith.constant 0 : i32
      %add3A_11 = arith.addi %add3A_10, %mul3A_9 : i32
      %dma_start3A = tpu.memref_slice %arg5[%add3A_11] : memref<5000xi32, #tpu.memory_space<vmem>> -> memref<200xi32, #tpu.memory_space<vmem>>
      %dma_start3A_12 = arith.constant 0 : i32
      %dma_start3A_13 = arith.constant 0 : i32
      %dma_start3A_14 = tpu.memref_slice %arg2[%dma_start3A_12, %dma_start3A_13] : memref<10000x256xf32, #tpu.memory_space<hbm>> -> memref<10000x256xf32, #tpu.memory_space<hbm>>
      tpu.enqueue_indirect_dma source(%dma_start3A_14 : memref<10000x256xf32, #tpu.memory_space<hbm>>) target(%arg6 : memref<200x256xf32, #tpu.memory_space<vmem>>) offsets(%dma_start3A : memref<200xi32, #tpu.memory_space<vmem>>) semaphore(%arg7 : memref<!tpu.dma_semaphore, #tpu.memory_space<semaphore_mem>>)
      %dma_wait3A = tpu.memref_slice %arg5[%add3A_11] : memref<5000xi32, #tpu.memory_space<vmem>> -> memref<200xi32, #tpu.memory_space<vmem>>
      %dma_wait3A_15 = arith.constant 0 : i32
      %dma_wait3A_16 = arith.constant 0 : i32
      %dma_wait3A_17 = tpu.memref_slice %arg2[%dma_wait3A_15, %dma_wait3A_16] : memref<10000x256xf32, #tpu.memory_space<hbm>> -> memref<10000x256xf32, #tpu.memory_space<hbm>>
      tpu.wait_indirect_dma semaphore(%arg7 : memref<!tpu.dma_semaphore, #tpu.memory_space<semaphore_mem>>) src(%dma_wait3A_17 : memref<10000x256xf32, #tpu.memory_space<hbm>>) dst(%arg6 : memref<200x256xf32, #tpu.memory_space<vmem>>)
      %add3A_18 = arith.addi %mul3A_2, %add3A_11 : i32
      "tpu.region"() ({
        %run_scoped3A = tpu.sem_alloc : memref<!tpu.dma_semaphore, #tpu.memory_space<semaphore_mem>>
        %dma_start3A_19 = arith.constant 0 : i32
        %dma_start3A_20 = tpu.memref_slice %arg4[%add3A_18, %dma_start3A_19] : memref<160000x256xf32, #tpu.memory_space<hbm>> -> memref<200x256xf32, #tpu.memory_space<hbm>>
        %dma_start3A_21 = arith.constant 0 : i32
        %dma_start3A_22 = tpu.memref_slice %arg4[%add3A_18, %dma_start3A_21] : memref<160000x256xf32, #tpu.memory_space<hbm>> -> memref<200x256xf32, #tpu.memory_space<hbm>>
        tpu.enqueue_dma source(%arg6 : memref<200x256xf32, #tpu.memory_space<vmem>>) target(%dma_start3A_22 : memref<200x256xf32, #tpu.memory_space<hbm>>) target_semaphore(%run_scoped3A : memref<!tpu.dma_semaphore, #tpu.memory_space<semaphore_mem>>)
        %dma_wait3A_23 = arith.constant 0 : i32
        %dma_wait3A_24 = tpu.memref_slice %arg4[%add3A_18, %dma_wait3A_23] : memref<160000x256xf32, #tpu.memory_space<hbm>> -> memref<200x256xf32, #tpu.memory_space<hbm>>
        %dma_wait3A_25 = arith.constant 0 : i32
        %dma_wait3A_26 = tpu.memref_slice %arg4[%add3A_18, %dma_wait3A_25] : memref<160000x256xf32, #tpu.memory_space<hbm>> -> memref<200x256xf32, #tpu.memory_space<hbm>>
        tpu.wait_dma2 semaphore(%run_scoped3A : memref<!tpu.dma_semaphore, #tpu.memory_space<semaphore_mem>>) src(%arg6 : memref<200x256xf32, #tpu.memory_space<vmem>>) dst(%dma_wait3A_26 : memref<200x256xf32, #tpu.memory_space<hbm>>)
        tpu.yield
      }) : () -> ()
    }
    %scan3A_6 = arith.constant 25 : i32
    return
  }
}

module attributes {stable_mosaic.version = 14 : i64} {
  func.func @_mlp_body(%arg0: i32, %arg1: memref<1000x256xf32, #tpu.memory_space<vmem>>, %arg2: memref<257x256xf32, #tpu.memory_space<vmem>>, %arg3: memref<1x256xf32, #tpu.memory_space<vmem>>, %arg4: memref<256x256xf32, #tpu.memory_space<vmem>>, %arg5: memref<1x256xf32, #tpu.memory_space<vmem>>, %arg6: memref<256x8xf32, #tpu.memory_space<vmem>>, %arg7: memref<1x8xf32, #tpu.memory_space<vmem>>, %arg8: memref<257x256xf32, #tpu.memory_space<vmem>>, %arg9: memref<1x256xf32, #tpu.memory_space<vmem>>, %arg10: memref<256x256xf32, #tpu.memory_space<vmem>>, %arg11: memref<1x256xf32, #tpu.memory_space<vmem>>, %arg12: memref<256x1xf32, #tpu.memory_space<vmem>>, %arg13: memref<1x1xf32, #tpu.memory_space<vmem>>, %arg14: memref<1000x8xf32, #tpu.memory_space<vmem>>, %arg15: memref<1000x1xf32, #tpu.memory_space<vmem>>) attributes {dimension_semantics = [#tpu.dimension_semantics<arbitrary>], iteration_bounds = array<i64: 10>, scalar_prefetch = 0 : i64, scratch_operands = 0 : i64, tpu.core_type = #tpu.core_type<tc>, window_params = [{transform_indices = @transform_0, window_bounds = array<i64: 1000, 256>}, {pipeline_mode = #tpu.pipeline_mode<synchronous>, transform_indices = @transform_1, window_bounds = array<i64: 257, 256>}, {pipeline_mode = #tpu.pipeline_mode<synchronous>, transform_indices = @transform_2, window_bounds = array<i64: 1, 256>}, {pipeline_mode = #tpu.pipeline_mode<synchronous>, transform_indices = @transform_3, window_bounds = array<i64: 256, 256>}, {pipeline_mode = #tpu.pipeline_mode<synchronous>, transform_indices = @transform_4, window_bounds = array<i64: 1, 256>}, {pipeline_mode = #tpu.pipeline_mode<synchronous>, transform_indices = @transform_5, window_bounds = array<i64: 256, 8>}, {pipeline_mode = #tpu.pipeline_mode<synchronous>, transform_indices = @transform_6, window_bounds = array<i64: 1, 8>}, {pipeline_mode = #tpu.pipeline_mode<synchronous>, transform_indices = @transform_7, window_bounds = array<i64: 257, 256>}, {pipeline_mode = #tpu.pipeline_mode<synchronous>, transform_indices = @transform_8, window_bounds = array<i64: 1, 256>}, {pipeline_mode = #tpu.pipeline_mode<synchronous>, transform_indices = @transform_9, window_bounds = array<i64: 256, 256>}, {pipeline_mode = #tpu.pipeline_mode<synchronous>, transform_indices = @transform_10, window_bounds = array<i64: 1, 256>}, {pipeline_mode = #tpu.pipeline_mode<synchronous>, transform_indices = @transform_11, window_bounds = array<i64: 256, 1>}, {pipeline_mode = #tpu.pipeline_mode<synchronous>, transform_indices = @transform_12, window_bounds = array<i64: 1, 1>}, {transform_indices = @transform_13, window_bounds = array<i64: 1000, 8>}, {transform_indices = @transform_14, window_bounds = array<i64: 1000, 1>}]} {
    %get3A = arith.constant 0 : index
    %get3A_0 = arith.constant 0 : index
    %get3A_1 = vector.load %arg1[%get3A, %get3A_0] : memref<1000x256xf32, #tpu.memory_space<vmem>>, vector<1000x256xf32>
    %reduce_sum3A = arith.constant dense<0.000000e+00> : vector<1000xf32>
    %reduce_sum3A_2 = vector.multi_reduction <add>, %get3A_1, %reduce_sum3A [1] : vector<1000x256xf32> to vector<1000xf32>
    %broadcast_in_dim3A = vector.shape_cast %reduce_sum3A_2 : vector<1000xf32> to vector<1000x1xf32>
    %div3A = arith.constant 2.560000e+02 : f32
    %div3A_3 = vector.broadcast %div3A : f32 to vector<1000x1xf32>
    %div3A_4 = arith.divf %broadcast_in_dim3A, %div3A_3 : vector<1000x1xf32>
    %concatenate3A = tpu.concatenate %get3A_1, %div3A_4 in 1 : vector<1000x256xf32>, vector<1000x1xf32> -> vector<1000x257xf32>
    %get3A_5 = arith.constant 0 : index
    %get3A_6 = arith.constant 0 : index
    %get3A_7 = vector.load %arg2[%get3A_5, %get3A_6] : memref<257x256xf32, #tpu.memory_space<vmem>>, vector<257x256xf32>
    %dot_general3A = arith.constant dense<0.000000e+00> : vector<1000x256xf32>
    %dot_general3A_8 = tpu.matmul %concatenate3A, %get3A_7, %dot_general3A {dimension_numbers = #tpu.dot_dimension_numbers<[1], [0], [0], [1], [0, 0, 1, 1], [], []>, transpose_lhs_hint = false} : vector<1000x257xf32>, vector<257x256xf32>, vector<1000x256xf32> -> vector<1000x256xf32>
    %get3A_9 = arith.constant 0 : index
    %get3A_10 = arith.constant 0 : index
    %get3A_11 = vector.load %arg3[%get3A_9, %get3A_10] : memref<1x256xf32, #tpu.memory_space<vmem>>, vector<1x256xf32>
    %add3A = vector.broadcast %get3A_11 : vector<1x256xf32> to vector<1000x256xf32>
    %add3A_12 = arith.addf %dot_general3A_8, %add3A : vector<1000x256xf32>
    %max3A = arith.constant 0.000000e+00 : f32
    %max3A_13 = vector.broadcast %max3A : f32 to vector<1000x256xf32>
    %max3A_14 = arith.maximumf %add3A_12, %max3A_13 : vector<1000x256xf32>
    %get3A_15 = arith.constant 0 : index
    %get3A_16 = arith.constant 0 : index
    %get3A_17 = vector.load %arg4[%get3A_15, %get3A_16] : memref<256x256xf32, #tpu.memory_space<vmem>>, vector<256x256xf32>
    %dot_general3A_18 = arith.constant dense<0.000000e+00> : vector<1000x256xf32>
    %dot_general3A_19 = tpu.matmul %max3A_14, %get3A_17, %dot_general3A_18 {dimension_numbers = #tpu.dot_dimension_numbers<[1], [0], [0], [1], [0, 0, 1, 1], [], []>, transpose_lhs_hint = false} : vector<1000x256xf32>, vector<256x256xf32>, vector<1000x256xf32> -> vector<1000x256xf32>
    %get3A_20 = arith.constant 0 : index
    %get3A_21 = arith.constant 0 : index
    %get3A_22 = vector.load %arg5[%get3A_20, %get3A_21] : memref<1x256xf32, #tpu.memory_space<vmem>>, vector<1x256xf32>
    %add3A_23 = vector.broadcast %get3A_22 : vector<1x256xf32> to vector<1000x256xf32>
    %add3A_24 = arith.addf %dot_general3A_19, %add3A_23 : vector<1000x256xf32>
    %max3A_25 = arith.constant 0.000000e+00 : f32
    %max3A_26 = vector.broadcast %max3A_25 : f32 to vector<1000x256xf32>
    %max3A_27 = arith.maximumf %add3A_24, %max3A_26 : vector<1000x256xf32>
    %get3A_28 = arith.constant 0 : index
    %get3A_29 = arith.constant 0 : index
    %get3A_30 = vector.load %arg6[%get3A_28, %get3A_29] : memref<256x8xf32, #tpu.memory_space<vmem>>, vector<256x8xf32>
    %dot_general3A_31 = arith.constant dense<0.000000e+00> : vector<1000x8xf32>
    %dot_general3A_32 = tpu.matmul %max3A_27, %get3A_30, %dot_general3A_31 {dimension_numbers = #tpu.dot_dimension_numbers<[1], [0], [0], [1], [0, 0, 1, 1], [], []>, transpose_lhs_hint = false} : vector<1000x256xf32>, vector<256x8xf32>, vector<1000x8xf32> -> vector<1000x8xf32>
    %get3A_33 = arith.constant 0 : index
    %get3A_34 = arith.constant 0 : index
    %get3A_35 = vector.load %arg7[%get3A_33, %get3A_34] : memref<1x8xf32, #tpu.memory_space<vmem>>, vector<1x8xf32>
    %add3A_36 = vector.broadcast %get3A_35 : vector<1x8xf32> to vector<1000x8xf32>
    %add3A_37 = arith.addf %dot_general3A_32, %add3A_36 : vector<1000x8xf32>
    %swap3A = arith.constant 0 : index
    %swap3A_38 = arith.constant 0 : index
    %swap3A_39 = vector.load %arg14[%swap3A, %swap3A_38] : memref<1000x8xf32, #tpu.memory_space<vmem>>, vector<1000x8xf32>
    tpu.vector_store %arg14[%swap3A, %swap3A_38], %add3A_37 {strides = array<i32>} : memref<1000x8xf32, #tpu.memory_space<vmem>>, vector<1000x8xf32>,
    %get3A_40 = arith.constant 0 : index
    %get3A_41 = arith.constant 0 : index
    %get3A_42 = vector.load %arg8[%get3A_40, %get3A_41] : memref<257x256xf32, #tpu.memory_space<vmem>>, vector<257x256xf32>
    %dot_general3A_43 = arith.constant dense<0.000000e+00> : vector<1000x256xf32>
    %dot_general3A_44 = tpu.matmul %concatenate3A, %get3A_42, %dot_general3A_43 {dimension_numbers = #tpu.dot_dimension_numbers<[1], [0], [0], [1], [0, 0, 1, 1], [], []>, transpose_lhs_hint = false} : vector<1000x257xf32>, vector<257x256xf32>, vector<1000x256xf32> -> vector<1000x256xf32>
    %get3A_45 = arith.constant 0 : index
    %get3A_46 = arith.constant 0 : index
    %get3A_47 = vector.load %arg9[%get3A_45, %get3A_46] : memref<1x256xf32, #tpu.memory_space<vmem>>, vector<1x256xf32>
    %add3A_48 = vector.broadcast %get3A_47 : vector<1x256xf32> to vector<1000x256xf32>
    %add3A_49 = arith.addf %dot_general3A_44, %add3A_48 : vector<1000x256xf32>
    %max3A_50 = arith.constant 0.000000e+00 : f32
    %max3A_51 = vector.broadcast %max3A_50 : f32 to vector<1000x256xf32>
    %max3A_52 = arith.maximumf %add3A_49, %max3A_51 : vector<1000x256xf32>
    %get3A_53 = arith.constant 0 : index
    %get3A_54 = arith.constant 0 : index
    %get3A_55 = vector.load %arg10[%get3A_53, %get3A_54] : memref<256x256xf32, #tpu.memory_space<vmem>>, vector<256x256xf32>
    %dot_general3A_56 = arith.constant dense<0.000000e+00> : vector<1000x256xf32>
    %dot_general3A_57 = tpu.matmul %max3A_52, %get3A_55, %dot_general3A_56 {dimension_numbers = #tpu.dot_dimension_numbers<[1], [0], [0], [1], [0, 0, 1, 1], [], []>, transpose_lhs_hint = false} : vector<1000x256xf32>, vector<256x256xf32>, vector<1000x256xf32> -> vector<1000x256xf32>
    %get3A_58 = arith.constant 0 : index
    %get3A_59 = arith.constant 0 : index
    %get3A_60 = vector.load %arg11[%get3A_58, %get3A_59] : memref<1x256xf32, #tpu.memory_space<vmem>>, vector<1x256xf32>
    %add3A_61 = vector.broadcast %get3A_60 : vector<1x256xf32> to vector<1000x256xf32>
    %add3A_62 = arith.addf %dot_general3A_57, %add3A_61 : vector<1000x256xf32>
    %max3A_63 = arith.constant 0.000000e+00 : f32
    %max3A_64 = vector.broadcast %max3A_63 : f32 to vector<1000x256xf32>
    %max3A_65 = arith.maximumf %add3A_62, %max3A_64 : vector<1000x256xf32>
    %get3A_66 = arith.constant 0 : index
    %get3A_67 = arith.constant 0 : index
    %get3A_68 = vector.load %arg12[%get3A_66, %get3A_67] : memref<256x1xf32, #tpu.memory_space<vmem>>, vector<256x1xf32>
    %dot_general3A_69 = arith.constant dense<0.000000e+00> : vector<1000x1xf32>
    %dot_general3A_70 = tpu.matmul %max3A_65, %get3A_68, %dot_general3A_69 {dimension_numbers = #tpu.dot_dimension_numbers<[1], [0], [0], [1], [0, 0, 1, 1], [], []>, transpose_lhs_hint = false} : vector<1000x256xf32>, vector<256x1xf32>, vector<1000x1xf32> -> vector<1000x1xf32>
    %get3A_71 = arith.constant 0 : index
    %get3A_72 = arith.constant 0 : index
    %get3A_73 = vector.load %arg13[%get3A_71, %get3A_72] : memref<1x1xf32, #tpu.memory_space<vmem>>, vector<1x1xf32>
    %add3A_74 = vector.broadcast %get3A_73 : vector<1x1xf32> to vector<1000x1xf32>
    %add3A_75 = arith.addf %dot_general3A_70, %add3A_74 : vector<1000x1xf32>
    %logistic3A = arith.negf %add3A_75 : vector<1000x1xf32>
    %logistic3A_76 = math.exp %logistic3A : vector<1000x1xf32>
    %logistic3A_77 = arith.constant 1.000000e+00 : f32
    %logistic3A_78 = vector.broadcast %logistic3A_77 : f32 to vector<1000x1xf32>
    %logistic3A_79 = arith.addf %logistic3A_78, %logistic3A_76 : vector<1000x1xf32>
    %logistic3A_80 = arith.divf %logistic3A_78, %logistic3A_79 : vector<1000x1xf32>
    %swap3A_81 = arith.constant 0 : index
    %swap3A_82 = arith.constant 0 : index
    %swap3A_83 = vector.load %arg15[%swap3A_81, %swap3A_82] : memref<1000x1xf32, #tpu.memory_space<vmem>>, vector<1000x1xf32>
    tpu.vector_store %arg15[%swap3A_81, %swap3A_82], %logistic3A_80 {strides = array<i32>} : memref<1000x1xf32, #tpu.memory_space<vmem>>, vector<1000x1xf32>,
    return
  }
  func.func @transform_0(%arg0: i32) -> (i32, i32) {
    %c0_i32 = arith.constant 0 : i32
    %c0_i32_0 = arith.constant 0 : i32
    return %arg0, %c0_i32 : i32, i32
  }
  func.func @transform_1(%arg0: i32) -> (i32, i32) {
    %c0_i32 = arith.constant 0 : i32
    %c0_i32_0 = arith.constant 0 : i32
    %c0_i32_1 = arith.constant 0 : i32
    return %c0_i32, %c0_i32_0 : i32, i32
  }
  func.func @transform_2(%arg0: i32) -> (i32, i32) {
    %c0_i32 = arith.constant 0 : i32
    %c0_i32_0 = arith.constant 0 : i32
    %c0_i32_1 = arith.constant 0 : i32
    return %c0_i32, %c0_i32_0 : i32, i32
  }
  func.func @transform_3(%arg0: i32) -> (i32, i32) {
    %c0_i32 = arith.constant 0 : i32
    %c0_i32_0 = arith.constant 0 : i32
    %c0_i32_1 = arith.constant 0 : i32
    return %c0_i32, %c0_i32_0 : i32, i32
  }
  func.func @transform_4(%arg0: i32) -> (i32, i32) {
    %c0_i32 = arith.constant 0 : i32
    %c0_i32_0 = arith.constant 0 : i32
    %c0_i32_1 = arith.constant 0 : i32
    return %c0_i32, %c0_i32_0 : i32, i32
  }
  func.func @transform_5(%arg0: i32) -> (i32, i32) {
    %c0_i32 = arith.constant 0 : i32
    %c0_i32_0 = arith.constant 0 : i32
    %c0_i32_1 = arith.constant 0 : i32
    return %c0_i32, %c0_i32_0 : i32, i32
  }
  func.func @transform_6(%arg0: i32) -> (i32, i32) {
    %c0_i32 = arith.constant 0 : i32
    %c0_i32_0 = arith.constant 0 : i32
    %c0_i32_1 = arith.constant 0 : i32
    return %c0_i32, %c0_i32_0 : i32, i32
  }
  func.func @transform_7(%arg0: i32) -> (i32, i32) {
    %c0_i32 = arith.constant 0 : i32
    %c0_i32_0 = arith.constant 0 : i32
    %c0_i32_1 = arith.constant 0 : i32
    return %c0_i32, %c0_i32_0 : i32, i32
  }
  func.func @transform_8(%arg0: i32) -> (i32, i32) {
    %c0_i32 = arith.constant 0 : i32
    %c0_i32_0 = arith.constant 0 : i32
    %c0_i32_1 = arith.constant 0 : i32
    return %c0_i32, %c0_i32_0 : i32, i32
  }
  func.func @transform_9(%arg0: i32) -> (i32, i32) {
    %c0_i32 = arith.constant 0 : i32
    %c0_i32_0 = arith.constant 0 : i32
    %c0_i32_1 = arith.constant 0 : i32
    return %c0_i32, %c0_i32_0 : i32, i32
  }
  func.func @transform_10(%arg0: i32) -> (i32, i32) {
    %c0_i32 = arith.constant 0 : i32
    %c0_i32_0 = arith.constant 0 : i32
    %c0_i32_1 = arith.constant 0 : i32
    return %c0_i32, %c0_i32_0 : i32, i32
  }
  func.func @transform_11(%arg0: i32) -> (i32, i32) {
    %c0_i32 = arith.constant 0 : i32
    %c0_i32_0 = arith.constant 0 : i32
    %c0_i32_1 = arith.constant 0 : i32
    return %c0_i32, %c0_i32_0 : i32, i32
  }
  func.func @transform_12(%arg0: i32) -> (i32, i32) {
    %c0_i32 = arith.constant 0 : i32
    %c0_i32_0 = arith.constant 0 : i32
    %c0_i32_1 = arith.constant 0 : i32
    return %c0_i32, %c0_i32_0 : i32, i32
  }
  func.func @transform_13(%arg0: i32) -> (i32, i32) {
    %c0_i32 = arith.constant 0 : i32
    %c0_i32_0 = arith.constant 0 : i32
    return %arg0, %c0_i32 : i32, i32
  }
  func.func @transform_14(%arg0: i32) -> (i32, i32) {
    %c0_i32 = arith.constant 0 : i32
    %c0_i32_0 = arith.constant 0 : i32
    return %arg0, %c0_i32 : i32, i32
  }
}

module attributes {stable_mosaic.version = 14 : i64} {
  func.func @_knn_body(%arg0: i32, %arg1: memref<400x8xf32, #tpu.memory_space<vmem>>, %arg2: memref<10000x8xf32, #tpu.memory_space<vmem>>, %arg3: memref<400x16xi32, #tpu.memory_space<vmem>>, %arg4: memref<400x16xf32, #tpu.memory_space<vmem>>) attributes {dimension_semantics = [#tpu.dimension_semantics<arbitrary>], iteration_bounds = array<i64: 25>, scalar_prefetch = 0 : i64, scratch_operands = 0 : i64, tpu.core_type = #tpu.core_type<tc>, window_params = [{transform_indices = @transform_0, window_bounds = array<i64: 400, 8>}, {pipeline_mode = #tpu.pipeline_mode<synchronous>, transform_indices = @transform_1, window_bounds = array<i64: 10000, 8>}, {transform_indices = @transform_2, window_bounds = array<i64: 400, 16>}, {transform_indices = @transform_3, window_bounds = array<i64: 400, 16>}]} {
    %get3A = arith.constant 0 : index
    %get3A_0 = arith.constant 0 : index
    %get3A_1 = vector.load %arg1[%get3A, %get3A_0] : memref<400x8xf32, #tpu.memory_space<vmem>>, vector<400x8xf32>
    %get3A_2 = arith.constant 0 : index
    %get3A_3 = arith.constant 0 : index
    %get3A_4 = vector.load %arg2[%get3A_2, %get3A_3] : memref<10000x8xf32, #tpu.memory_space<vmem>>, vector<10000x8xf32>
    %mul3A = arith.mulf %get3A_1, %get3A_1 : vector<400x8xf32>
    %reduce_sum3A = arith.constant dense<0.000000e+00> : vector<400xf32>
    %reduce_sum3A_5 = vector.multi_reduction <add>, %mul3A, %reduce_sum3A [1] : vector<400x8xf32> to vector<400xf32>
    %broadcast_in_dim3A = vector.shape_cast %reduce_sum3A_5 : vector<400xf32> to vector<400x1xf32>
    %mul3A_6 = arith.mulf %get3A_4, %get3A_4 : vector<10000x8xf32>
    %reduce_sum3A_7 = arith.constant dense<0.000000e+00> : vector<10000xf32>
    %reduce_sum3A_8 = vector.multi_reduction <add>, %mul3A_6, %reduce_sum3A_7 [1] : vector<10000x8xf32> to vector<10000xf32>
    %broadcast_in_dim3A_9 = vector.shape_cast %reduce_sum3A_8 : vector<10000xf32> to vector<1x10000xf32>
    %dot_general3A = arith.constant dense<0.000000e+00> : vector<400x10000xf32>
    %dot_general3A_10 = tpu.matmul %get3A_1, %get3A_4, %dot_general3A {dimension_numbers = #tpu.dot_dimension_numbers<[1], [1], [0], [0], [0, 0, 1, 0], [], []>, transpose_lhs_hint = false} : vector<400x8xf32>, vector<10000x8xf32>, vector<400x10000xf32> -> vector<400x10000xf32>
    %add3A = vector.broadcast %broadcast_in_dim3A : vector<400x1xf32> to vector<400x10000xf32>
    %add3A_11 = vector.broadcast %broadcast_in_dim3A_9 : vector<1x10000xf32> to vector<400x10000xf32>
    %add3A_12 = arith.addf %add3A, %add3A_11 : vector<400x10000xf32>
    %mul3A_13 = arith.constant 2.000000e+00 : f32
    %mul3A_14 = vector.broadcast %mul3A_13 : f32 to vector<400x10000xf32>
    %mul3A_15 = arith.mulf %mul3A_14, %dot_general3A_10 : vector<400x10000xf32>
    %sub3A = arith.subf %add3A_12, %mul3A_15 : vector<400x10000xf32>
    %iota3A = tpu.iota {dimensions = array<i32: 1>} : vector<400x10000xi32>
    %iota3A_16 = tpu.iota {dimensions = array<i32: 1>} : vector<400x16xi32>
    %neg3A = arith.constant 0.000000e+00 : f32
    %neg3A_17 = arith.constant 0x7F800000 : f32
    %neg3A_18 = arith.subf %neg3A, %neg3A_17 : f32
    %broadcast_in_dim3A_19 = vector.broadcast %neg3A_18 : f32 to vector<400x1xf32>
    %broadcast_in_dim3A_20 = arith.constant 0 : i32
    %broadcast_in_dim3A_21 = vector.broadcast %broadcast_in_dim3A_20 : i32 to vector<400x1xi32>
    %broadcast_in_dim3A_22 = arith.constant 0 : i32
    %broadcast_in_dim3A_23 = vector.broadcast %broadcast_in_dim3A_22 : i32 to vector<400x16xi32>
    %broadcast_in_dim3A_24 = arith.constant 0.000000e+00 : f32
    %broadcast_in_dim3A_25 = vector.broadcast %broadcast_in_dim3A_24 : f32 to vector<400x16xf32>
    %scan3A = arith.constant 0x7F800000 : f32
    %scan3A_26 = arith.constant 10000 : i32
    %scan3A_27 = arith.constant 0 : i32
    %scan3A_28 = arith.constant 0 : i32
    %scan3A_29 = arith.constant 16 : i32
    %scan3A_30 = arith.addi %scan3A_28, %scan3A_29 : i32
    %scan3A_31 = arith.constant 1 : i32
    %scan3A_32:4 = scf.for %scan3A_39 = %scan3A_28 to %scan3A_30 step %scan3A_31 iter_args(%scan3A_40 = %broadcast_in_dim3A_19, %scan3A_41 = %broadcast_in_dim3A_21, %scan3A_42 = %broadcast_in_dim3A_23, %scan3A_43 = %broadcast_in_dim3A_25) -> (vector<400x1xf32>, vector<400x1xi32>, vector<400x16xi32>, vector<400x16xf32>)  : i32 {
      %gt3A = vector.broadcast %scan3A_40 : vector<400x1xf32> to vector<400x10000xf32>
      %gt3A_44 = arith.cmpf ogt, %sub3A, %gt3A : vector<400x10000xf32>
      %broadcast_in_dim3A_45 = vector.broadcast %scan3A : f32 to vector<400x10000xf32>
      %select_n3A = arith.select %gt3A_44, %sub3A, %broadcast_in_dim3A_45 : vector<400x10000xi1>, vector<400x10000xf32>
      %reduce_min3A = arith.constant dense<0x7F800000> : vector<400xf32>
      %reduce_min3A_46 = vector.multi_reduction <minimumf>, %select_n3A, %reduce_min3A [1] : vector<400x10000xf32> to vector<400xf32>
      %broadcast_in_dim3A_47 = vector.shape_cast %reduce_min3A_46 : vector<400xf32> to vector<400x1xf32>
      %eq3A = vector.broadcast %broadcast_in_dim3A_47 : vector<400x1xf32> to vector<400x10000xf32>
      %eq3A_48 = arith.cmpf oeq, %sub3A, %eq3A : vector<400x10000xf32>
      %broadcast_in_dim3A_49 = vector.broadcast %scan3A_26 : i32 to vector<400x10000xi32>
      %select_n3A_50 = arith.select %eq3A_48, %iota3A, %broadcast_in_dim3A_49 : vector<400x10000xi1>, vector<400x10000xi32>
      %reduce_min3A_51 = arith.constant dense<2147483647> : vector<400xi32>
      %reduce_min3A_52 = vector.multi_reduction <minsi>, %select_n3A_50, %reduce_min3A_51 [1] : vector<400x10000xi32> to vector<400xi32>
      %broadcast_in_dim3A_53 = vector.shape_cast %reduce_min3A_52 : vector<400xi32> to vector<400x1xi32>
      %broadcast_in_dim3A_54 = vector.broadcast %scan3A_27 : i32 to vector<400x10000xi32>
      %select_n3A_55 = arith.select %eq3A_48, %iota3A, %broadcast_in_dim3A_54 : vector<400x10000xi1>, vector<400x10000xi32>
      %reduce_sum3A_56 = arith.constant dense<0> : vector<400xi32>
      %reduce_sum3A_57 = vector.multi_reduction <add>, %select_n3A_55, %reduce_sum3A_56 [1] : vector<400x10000xi32> to vector<400xi32>
      %broadcast_in_dim3A_58 = vector.shape_cast %reduce_sum3A_57 : vector<400xi32> to vector<400x1xi32>
      %sub3A_59 = arith.subi %broadcast_in_dim3A_58, %broadcast_in_dim3A_53 : vector<400x1xi32>
      %gt3A_60 = arith.constant 0 : i32
      %gt3A_61 = vector.broadcast %gt3A_60 : i32 to vector<400x1xi32>
      %gt3A_62 = arith.cmpi sgt, %scan3A_41, %gt3A_61 : vector<400x1xi32>
      %select_n3A_63 = arith.select %gt3A_62, %scan3A_40, %broadcast_in_dim3A_47 : vector<400x1xi1>, vector<400x1xf32>
      %select_n3A_64 = arith.select %gt3A_62, %scan3A_41, %broadcast_in_dim3A_53 : vector<400x1xi1>, vector<400x1xi32>
      %broadcast_in_dim3A_65 = vector.broadcast %scan3A_27 : i32 to vector<400x1xi32>
      %select_n3A_66 = arith.select %gt3A_62, %broadcast_in_dim3A_65, %sub3A_59 : vector<400x1xi1>, vector<400x1xi32>
      %eq3A_67 = vector.broadcast %scan3A_39 : i32 to vector<400x16xi32>
      %eq3A_68 = arith.cmpi eq, %iota3A_16, %eq3A_67 : vector<400x16xi32>
      %broadcast_in_dim3A_69 = vector.shape_cast %select_n3A_64 : vector<400x1xi32> to vector<400x1xi32>
      %broadcast_in_dim3A_70 = vector.broadcast %broadcast_in_dim3A_69 : vector<400x1xi32> to vector<400x16xi32>
      %select_n3A_71 = arith.select %eq3A_68, %broadcast_in_dim3A_70, %scan3A_42 : vector<400x16xi1>, vector<400x16xi32>
      %eq3A_72 = vector.broadcast %scan3A_39 : i32 to vector<400x16xi32>
      %eq3A_73 = arith.cmpi eq, %iota3A_16, %eq3A_72 : vector<400x16xi32>
      %broadcast_in_dim3A_74 = vector.shape_cast %select_n3A_63 : vector<400x1xf32> to vector<400x1xf32>
      %broadcast_in_dim3A_75 = vector.broadcast %broadcast_in_dim3A_74 : vector<400x1xf32> to vector<400x16xf32>
      %select_n3A_76 = arith.select %eq3A_73, %broadcast_in_dim3A_75, %scan3A_43 : vector<400x16xi1>, vector<400x16xf32>
      scf.yield %select_n3A_63, %select_n3A_66, %select_n3A_71, %select_n3A_76 : vector<400x1xf32>, vector<400x1xi32>, vector<400x16xi32>, vector<400x16xf32>
    }
    %scan3A_33 = arith.constant 16 : i32
    %swap3A = arith.constant 0 : index
    %swap3A_34 = arith.constant 0 : index
    %swap3A_35 = vector.load %arg3[%swap3A, %swap3A_34] : memref<400x16xi32, #tpu.memory_space<vmem>>, vector<400x16xi32>
    tpu.vector_store %arg3[%swap3A, %swap3A_34], %scan3A_32#2 {strides = array<i32>} : memref<400x16xi32, #tpu.memory_space<vmem>>, vector<400x16xi32>,
    %swap3A_36 = arith.constant 0 : index
    %swap3A_37 = arith.constant 0 : index
    %swap3A_38 = vector.load %arg4[%swap3A_36, %swap3A_37] : memref<400x16xf32, #tpu.memory_space<vmem>>, vector<400x16xf32>
    tpu.vector_store %arg4[%swap3A_36, %swap3A_37], %scan3A_32#3 {strides = array<i32>} : memref<400x16xf32, #tpu.memory_space<vmem>>, vector<400x16xf32>,
    return
  }
  func.func @transform_0(%arg0: i32) -> (i32, i32) {
    %c0_i32 = arith.constant 0 : i32
    %c0_i32_0 = arith.constant 0 : i32
    return %arg0, %c0_i32 : i32, i32
  }
  func.func @transform_1(%arg0: i32) -> (i32, i32) {
    %c0_i32 = arith.constant 0 : i32
    %c0_i32_0 = arith.constant 0 : i32
    %c0_i32_1 = arith.constant 0 : i32
    return %c0_i32, %c0_i32_0 : i32, i32
  }
  func.func @transform_2(%arg0: i32) -> (i32, i32) {
    %c0_i32 = arith.constant 0 : i32
    %c0_i32_0 = arith.constant 0 : i32
    return %arg0, %c0_i32 : i32, i32
  }
  func.func @transform_3(%arg0: i32) -> (i32, i32) {
    %c0_i32 = arith.constant 0 : i32
    %c0_i32_0 = arith.constant 0 : i32
    return %arg0, %c0_i32 : i32, i32
  }
}

module attributes {stable_mosaic.version = 14 : i64} {
  func.func @_final_body(%arg0: i32, %arg1: memref<3200x256xf32, #tpu.memory_space<vmem>>, %arg2: memref<200x16xf32, #tpu.memory_space<vmem>>, %arg3: memref<200x1xf32, #tpu.memory_space<vmem>>, %arg4: memref<200x256xf32, #tpu.memory_space<vmem>>, %arg5: memref<256x256xf32, #tpu.memory_space<vmem>>, %arg6: memref<1x256xf32, #tpu.memory_space<vmem>>, %arg7: memref<256x256xf32, #tpu.memory_space<vmem>>, %arg8: memref<1x256xf32, #tpu.memory_space<vmem>>, %arg9: memref<1x256xf32, #tpu.memory_space<vmem>>, %arg10: memref<256x256xf32, #tpu.memory_space<vmem>>, %arg11: memref<1x256xf32, #tpu.memory_space<vmem>>, %arg12: memref<200x256xf32, #tpu.memory_space<vmem>>) attributes {dimension_semantics = [#tpu.dimension_semantics<arbitrary>], iteration_bounds = array<i64: 50>, scalar_prefetch = 0 : i64, scratch_operands = 0 : i64, tpu.core_type = #tpu.core_type<tc>, window_params = [{transform_indices = @transform_0, window_bounds = array<i64: 3200, 256>}, {transform_indices = @transform_1, window_bounds = array<i64: 200, 16>}, {transform_indices = @transform_2, window_bounds = array<i64: 200, 1>}, {transform_indices = @transform_3, window_bounds = array<i64: 200, 256>}, {pipeline_mode = #tpu.pipeline_mode<synchronous>, transform_indices = @transform_4, window_bounds = array<i64: 256, 256>}, {pipeline_mode = #tpu.pipeline_mode<synchronous>, transform_indices = @transform_5, window_bounds = array<i64: 1, 256>}, {pipeline_mode = #tpu.pipeline_mode<synchronous>, transform_indices = @transform_6, window_bounds = array<i64: 256, 256>}, {pipeline_mode = #tpu.pipeline_mode<synchronous>, transform_indices = @transform_7, window_bounds = array<i64: 1, 256>}, {pipeline_mode = #tpu.pipeline_mode<synchronous>, transform_indices = @transform_8, window_bounds = array<i64: 1, 256>}, {pipeline_mode = #tpu.pipeline_mode<synchronous>, transform_indices = @transform_9, window_bounds = array<i64: 256, 256>}, {pipeline_mode = #tpu.pipeline_mode<synchronous>, transform_indices = @transform_10, window_bounds = array<i64: 1, 256>}, {transform_indices = @transform_11, window_bounds = array<i64: 200, 256>}]} {
    %get3A = arith.constant 0 : index
    %get3A_0 = arith.constant 0 : index
    %get3A_1 = vector.load %arg1[%get3A, %get3A_0] : memref<3200x256xf32, #tpu.memory_space<vmem>>, vector<3200x256xf32>
    %reshape3A = vector.shape_cast %get3A_1 : vector<3200x256xf32> to vector<200x16x256xf32>
    %get3A_2 = arith.constant 0 : index
    %get3A_3 = arith.constant 0 : index
    %get3A_4 = vector.load %arg2[%get3A_2, %get3A_3] : memref<200x16xf32, #tpu.memory_space<vmem>>, vector<200x16xf32>
    %neg3A = arith.constant 0.000000e+00 : f32
    %neg3A_5 = vector.broadcast %neg3A : f32 to vector<200x16xf32>
    %neg3A_6 = arith.subf %neg3A_5, %get3A_4 : vector<200x16xf32>
    %get3A_7 = arith.constant 0 : index
    %get3A_8 = arith.constant 0 : index
    %get3A_9 = vector.load %arg3[%get3A_7, %get3A_8] : memref<200x1xf32, #tpu.memory_space<vmem>>, vector<200x1xf32>
    %div3A = vector.broadcast %get3A_9 : vector<200x1xf32> to vector<200x16xf32>
    %div3A_10 = arith.divf %neg3A_6, %div3A : vector<200x16xf32>
    %exp3A = math.exp %div3A_10 : vector<200x16xf32>
    %broadcast_in_dim3A = vector.shape_cast %exp3A : vector<200x16xf32> to vector<200x16x1xf32>
    %mul3A = vector.broadcast %broadcast_in_dim3A : vector<200x16x1xf32> to vector<200x16x256xf32>
    %mul3A_11 = arith.mulf %reshape3A, %mul3A : vector<200x16x256xf32>
    %reduce_sum3A = arith.constant dense<0.000000e+00> : vector<200x256xf32>
    %reduce_sum3A_12 = vector.multi_reduction <add>, %mul3A_11, %reduce_sum3A [1] : vector<200x16x256xf32> to vector<200x256xf32>
    %reduce_sum3A_13 = arith.constant dense<0.000000e+00> : vector<200xf32>
    %reduce_sum3A_14 = vector.multi_reduction <add>, %reduce_sum3A_12, %reduce_sum3A_13 [1] : vector<200x256xf32> to vector<200xf32>
    %broadcast_in_dim3A_15 = vector.shape_cast %reduce_sum3A_14 : vector<200xf32> to vector<200x1xf32>
    %div3A_16 = arith.constant 2.560000e+02 : f32
    %div3A_17 = vector.broadcast %div3A_16 : f32 to vector<200x1xf32>
    %div3A_18 = arith.divf %broadcast_in_dim3A_15, %div3A_17 : vector<200x1xf32>
    %get3A_19 = arith.constant 0 : index
    %get3A_20 = arith.constant 0 : index
    %get3A_21 = vector.load %arg4[%get3A_19, %get3A_20] : memref<200x256xf32, #tpu.memory_space<vmem>>, vector<200x256xf32>
    %reduce_sum3A_22 = arith.constant dense<0.000000e+00> : vector<200xf32>
    %reduce_sum3A_23 = vector.multi_reduction <add>, %get3A_21, %reduce_sum3A_22 [1] : vector<200x256xf32> to vector<200xf32>
    %broadcast_in_dim3A_24 = vector.shape_cast %reduce_sum3A_23 : vector<200xf32> to vector<200x1xf32>
    %div3A_25 = arith.constant 2.560000e+02 : f32
    %div3A_26 = vector.broadcast %div3A_25 : f32 to vector<200x1xf32>
    %div3A_27 = arith.divf %broadcast_in_dim3A_24, %div3A_26 : vector<200x1xf32>
    %get3A_28 = arith.constant 0 : index
    %get3A_29 = arith.constant 0 : index
    %get3A_30 = vector.load %arg5[%get3A_28, %get3A_29] : memref<256x256xf32, #tpu.memory_space<vmem>>, vector<256x256xf32>
    %dot_general3A = arith.constant dense<0.000000e+00> : vector<200x256xf32>
    %dot_general3A_31 = tpu.matmul %reduce_sum3A_12, %get3A_30, %dot_general3A {dimension_numbers = #tpu.dot_dimension_numbers<[1], [0], [0], [1], [0, 0, 1, 1], [], []>, transpose_lhs_hint = false} : vector<200x256xf32>, vector<256x256xf32>, vector<200x256xf32> -> vector<200x256xf32>
    %get3A_32 = arith.constant 0 : index
    %get3A_33 = arith.constant 0 : index
    %get3A_34 = vector.load %arg7[%get3A_32, %get3A_33] : memref<256x256xf32, #tpu.memory_space<vmem>>, vector<256x256xf32>
    %dot_general3A_35 = arith.constant dense<0.000000e+00> : vector<200x256xf32>
    %dot_general3A_36 = tpu.matmul %get3A_21, %get3A_34, %dot_general3A_35 {dimension_numbers = #tpu.dot_dimension_numbers<[1], [0], [0], [1], [0, 0, 1, 1], [], []>, transpose_lhs_hint = false} : vector<200x256xf32>, vector<256x256xf32>, vector<200x256xf32> -> vector<200x256xf32>
    %add3A = arith.addf %dot_general3A_31, %dot_general3A_36 : vector<200x256xf32>
    %get3A_37 = arith.constant 0 : index
    %get3A_38 = arith.constant 0 : index
    %get3A_39 = vector.load %arg6[%get3A_37, %get3A_38] : memref<1x256xf32, #tpu.memory_space<vmem>>, vector<1x256xf32>
    %mul3A_40 = vector.broadcast %div3A_18 : vector<200x1xf32> to vector<200x256xf32>
    %mul3A_41 = vector.broadcast %get3A_39 : vector<1x256xf32> to vector<200x256xf32>
    %mul3A_42 = arith.mulf %mul3A_40, %mul3A_41 : vector<200x256xf32>
    %add3A_43 = arith.addf %add3A, %mul3A_42 : vector<200x256xf32>
    %get3A_44 = arith.constant 0 : index
    %get3A_45 = arith.constant 0 : index
    %get3A_46 = vector.load %arg8[%get3A_44, %get3A_45] : memref<1x256xf32, #tpu.memory_space<vmem>>, vector<1x256xf32>
    %mul3A_47 = vector.broadcast %div3A_27 : vector<200x1xf32> to vector<200x256xf32>
    %mul3A_48 = vector.broadcast %get3A_46 : vector<1x256xf32> to vector<200x256xf32>
    %mul3A_49 = arith.mulf %mul3A_47, %mul3A_48 : vector<200x256xf32>
    %add3A_50 = arith.addf %add3A_43, %mul3A_49 : vector<200x256xf32>
    %get3A_51 = arith.constant 0 : index
    %get3A_52 = arith.constant 0 : index
    %get3A_53 = vector.load %arg9[%get3A_51, %get3A_52] : memref<1x256xf32, #tpu.memory_space<vmem>>, vector<1x256xf32>
    %add3A_54 = vector.broadcast %get3A_53 : vector<1x256xf32> to vector<200x256xf32>
    %add3A_55 = arith.addf %add3A_50, %add3A_54 : vector<200x256xf32>
    %max3A = arith.constant 0.000000e+00 : f32
    %max3A_56 = vector.broadcast %max3A : f32 to vector<200x256xf32>
    %max3A_57 = arith.maximumf %add3A_55, %max3A_56 : vector<200x256xf32>
    %get3A_58 = arith.constant 0 : index
    %get3A_59 = arith.constant 0 : index
    %get3A_60 = vector.load %arg10[%get3A_58, %get3A_59] : memref<256x256xf32, #tpu.memory_space<vmem>>, vector<256x256xf32>
    %dot_general3A_61 = arith.constant dense<0.000000e+00> : vector<200x256xf32>
    %dot_general3A_62 = tpu.matmul %max3A_57, %get3A_60, %dot_general3A_61 {dimension_numbers = #tpu.dot_dimension_numbers<[1], [0], [0], [1], [0, 0, 1, 1], [], []>, transpose_lhs_hint = false} : vector<200x256xf32>, vector<256x256xf32>, vector<200x256xf32> -> vector<200x256xf32>
    %get3A_63 = arith.constant 0 : index
    %get3A_64 = arith.constant 0 : index
    %get3A_65 = vector.load %arg11[%get3A_63, %get3A_64] : memref<1x256xf32, #tpu.memory_space<vmem>>, vector<1x256xf32>
    %add3A_66 = vector.broadcast %get3A_65 : vector<1x256xf32> to vector<200x256xf32>
    %add3A_67 = arith.addf %dot_general3A_62, %add3A_66 : vector<200x256xf32>
    %max3A_68 = arith.constant 0.000000e+00 : f32
    %max3A_69 = vector.broadcast %max3A_68 : f32 to vector<200x256xf32>
    %max3A_70 = arith.maximumf %add3A_67, %max3A_69 : vector<200x256xf32>
    %swap3A = arith.constant 0 : index
    %swap3A_71 = arith.constant 0 : index
    %swap3A_72 = vector.load %arg12[%swap3A, %swap3A_71] : memref<200x256xf32, #tpu.memory_space<vmem>>, vector<200x256xf32>
    tpu.vector_store %arg12[%swap3A, %swap3A_71], %max3A_70 {strides = array<i32>} : memref<200x256xf32, #tpu.memory_space<vmem>>, vector<200x256xf32>,
    return
  }
  func.func @transform_0(%arg0: i32) -> (i32, i32) {
    %c0_i32 = arith.constant 0 : i32
    %c0_i32_0 = arith.constant 0 : i32
    return %arg0, %c0_i32 : i32, i32
  }
  func.func @transform_1(%arg0: i32) -> (i32, i32) {
    %c0_i32 = arith.constant 0 : i32
    %c0_i32_0 = arith.constant 0 : i32
    return %arg0, %c0_i32 : i32, i32
  }
  func.func @transform_2(%arg0: i32) -> (i32, i32) {
    %c0_i32 = arith.constant 0 : i32
    %c0_i32_0 = arith.constant 0 : i32
    return %arg0, %c0_i32 : i32, i32
  }
  func.func @transform_3(%arg0: i32) -> (i32, i32) {
    %c0_i32 = arith.constant 0 : i32
    %c0_i32_0 = arith.constant 0 : i32
    return %arg0, %c0_i32 : i32, i32
  }
  func.func @transform_4(%arg0: i32) -> (i32, i32) {
    %c0_i32 = arith.constant 0 : i32
    %c0_i32_0 = arith.constant 0 : i32
    %c0_i32_1 = arith.constant 0 : i32
    return %c0_i32, %c0_i32_0 : i32, i32
  }
  func.func @transform_5(%arg0: i32) -> (i32, i32) {
    %c0_i32 = arith.constant 0 : i32
    %c0_i32_0 = arith.constant 0 : i32
    %c0_i32_1 = arith.constant 0 : i32
    return %c0_i32, %c0_i32_0 : i32, i32
  }
  func.func @transform_6(%arg0: i32) -> (i32, i32) {
    %c0_i32 = arith.constant 0 : i32
    %c0_i32_0 = arith.constant 0 : i32
    %c0_i32_1 = arith.constant 0 : i32
    return %c0_i32, %c0_i32_0 : i32, i32
  }
  func.func @transform_7(%arg0: i32) -> (i32, i32) {
    %c0_i32 = arith.constant 0 : i32
    %c0_i32_0 = arith.constant 0 : i32
    %c0_i32_1 = arith.constant 0 : i32
    return %c0_i32, %c0_i32_0 : i32, i32
  }
  func.func @transform_8(%arg0: i32) -> (i32, i32) {
    %c0_i32 = arith.constant 0 : i32
    %c0_i32_0 = arith.constant 0 : i32
    %c0_i32_1 = arith.constant 0 : i32
    return %c0_i32, %c0_i32_0 : i32, i32
  }
  func.func @transform_9(%arg0: i32) -> (i32, i32) {
    %c0_i32 = arith.constant 0 : i32
    %c0_i32_0 = arith.constant 0 : i32
    %c0_i32_1 = arith.constant 0 : i32
    return %c0_i32, %c0_i32_0 : i32, i32
  }
  func.func @transform_10(%arg0: i32) -> (i32, i32) {
    %c0_i32 = arith.constant 0 : i32
    %c0_i32_0 = arith.constant 0 : i32
    %c0_i32_1 = arith.constant 0 : i32
    return %c0_i32, %c0_i32_0 : i32, i32
  }
  func.func @transform_11(%arg0: i32) -> (i32, i32) {
    %c0_i32 = arith.constant 0 : i32
    %c0_i32_0 = arith.constant 0 : i32
    return %arg0, %c0_i32 : i32, i32
  }
}

</mosaic_0001>

<sc_bundles>
// kernel: kernel.6.cloned.1.call-start
scs
__scs_entry_jumppad:
0x0: {  	(pc) =	sbr.rel $0x88, $3  }
0x1: {  	(tag) =	ssettag $0x0;
	lr =	simm.s32 $0x1  }
0x2: {  	[smem:$0x3F90] =	sst lr;
	_ =	strace $0xD0000000  }
0x3: {  	_ = 	snop  }
0x4: {  	_ = 	snop  }
0x5: {  	_ = 	snop  }
0x6: {  	_ = 	snop  }
0x7: {  	_ = 	snop  }
__scs_overlays_trampoline_lowered:
0x8: {  	[smem:$0x3F9F] =	sst s0  }
0x9: {  	[smem:$0x3FA0] =	sst s1  }
0xa: {  	[smem:$0x3FA1] =	sst s2  }
0xb: {  	[smem:$0x3FA2] =	sst s3  }
0xc: {  	[smem:$0x3FA3] =	sst s4  }
0xd: {  	[smem:$0x3FA4] =	sst s5  }
0xe: {  	[smem:$0x3FA5] =	sst s6  }
0xf: {  	[smem:$0x3FA6] =	sst s7  }
0x10: {  	[smem:$0x3FA7] =	sst s8  }
0x11: {  	[smem:$0x3FA8] =	sst s9;
	s0 =	simm.s32 @!p0 $0x0  }
0x12: {  	s1 =	sld [smem:$0x3F8E];
	s0 =	simm.s32 @p0 $0x1  }
0x13: {  	[smem:$0x3FA9] =	sst s0;
	s0 =	simm.s32 @!p1 $0x0  }
0x14: {  	s2 =	sld [smem:$0x3F8D];
	s0 =	simm.s32 @p1 $0x1  }
0x15: {  	[smem:$0x3FAA] =	sst s0;
	s0 =	simm.s32 @!p2 $0x0  }
0x16: {  	s3 =	sld [smem:$0x3FDB];
	s0 =	simm.s32 @p2 $0x1  }
0x17: {  	s4 =	simm.s32 $0x1BF5;
	[smem:$0x3FAC] =	sst s0  }
0x18: {  	s0 =	sld [smem:$0x3F8F];
	_ =	swait.ge [sflag:s4], $0x0  }
0x19: {  	s7 =	sld [smem:$0x3F90]  }
0x1a: {  	s8 =	sadd.s32 $0xFFFFE003, lr  }
0x1b: {  	s9 =	sadd.s32 $0xFFFFFEF7, lr;
	s5 =	simm.s32 $0xFFFFFFFF;
	p2 =	slt.u32 s8, $0xFFFFF086  }
0x1c: {  	p1 =	slt.u32 s9, $0xF7A;
	s5 =	simm.s32 @!p2 $0x0  }
0x1d: {  	s5 =	simm.s32 @p1 $0x1;
	p0 =	seq.s32 s7, s2  }
0x1e: {  	s7 =	smul.u32 @!p0 $0xF7A, s2;
	p2 =	seq.s32 @!p0 s5, $0x0  }
0x1f: {  	s9 =	smul.u32 $0xF7A, s1;
	s8 =	simm.s32 @!p0 $0x1BF5;
	p2 =	por !p2, p0  }
0x20: {  	[sflag:s8] =	ssyncset.s32 @!p0 $0xFFFFF086;
	s6 =	sadd.s32 @!p0 s3, s7;
	s7 =	simm.s32 @!p0 $0x108  }
0x21: {  	s3 =	sadd.s32 s3, s9;
	s6 =	sadd.s32 @!p0 $0x88, s6;
	s7 =	simm.s32 @p2 $0x1082  }
0x22: {  	[simem:s7], [sflag:s8] =	dma.local @!p0 [hbm:s6], $0xF7A  }
0x23: {  	s9 =	sor.u32 $0xD0000000, s2;
	s6 =	simm.s32 $0x108;
	_ =	swait.ge @!p0 [sflag:s8], $0x0  }
0x24: {  	s3 =	sadd.s32 $0x88, s3;
	s6 =	simm.s32 @!p1 $0x1082;
	[sflag:s4] =	ssyncset.s32 $0xFFFFF086  }
0x25: {  	[simem:s6], [sflag:s4] =	dma.local [hbm:s3], $0xF7A  }
0x26: {  	[smem:$0x3F90] =	sst s1;
	(tag) =	ssettag s2;
	_ =	strace s9  }
0x27: {  	s1 =	sld [smem:$0x3FA0]  }
0x28: {  	s2 =	sld [smem:$0x3FA1]  }
0x29: {  	s4 =	sld [smem:$0x3FA3]  }
0x2a: {  	p0 =	seq.s32 s5, $0x0;
	s5 =	sld [smem:$0x3FA4]  }
0x2b: {  	s6 =	sld [smem:$0x3FA5]  }
0x2c: {  	s7 =	sld [smem:$0x3FA6]  }
0x2d: {  	s3 =	simm.s32 $0x108;
	s8 =	sld [smem:$0x3FA7]  }
0x2e: {  	s3 =	simm.s32 @!p0 $0x1082;
	s9 =	sld [smem:$0x3FA8]  }
0x2f: {  	lr =	sadd.s32 s0, s3;
	s0 =	sld [smem:$0x3F9F]  }
0x30: {  	s3 =	sld [smem:$0x3FA2]  }
0x31: {  	[smem:$0x3FAB] =	sst s10  }
0x32: {  	s10 =	sld [smem:$0x3FA9];
	_ =	sdelay $0x3  }
0x33: {  	p0 =	seq.s32 s10, $0x1;
	s10 =	sld [smem:$0x3FAB];
	_ =	sdelay $0x3  }
0x34: {  	[smem:$0x3FAB] =	sst s10  }
0x35: {  	s10 =	sld [smem:$0x3FAA];
	_ =	sdelay $0x3  }
0x36: {  	p1 =	seq.s32 s10, $0x1;
	s10 =	sld [smem:$0x3FAB];
	_ =	sdelay $0x3  }
0x37: {  	[smem:$0x3FAB] =	sst s10  }
0x38: {  	s10 =	sld [smem:$0x3FAC]  }
0x39: {  	_ = 	snop;
	(pc) =	sbr.ind lr, $3  }
0x3a: {  	_ = 	snop  }
0x3b: {  	_ = 	snop  }
0x3c: {  	p2 =	seq.s32 s10, $0x1;
	s10 =	sld [smem:$0x3FAB]  }
0x3d: {  	_ =	shalt  }
0x3e: {  	_ =	shalt  }
0x3f: {  	_ =	shalt  }
0x40: {  	_ =	shalt  }
0x41: {  	_ =	shalt  }
0x42: {  	_ =	shalt  }
0x43: {  	_ =	shalt  }
0x44: {  	_ =	shalt  }
0x45: {  	_ =	shalt  }
0x46: {  	_ =	shalt  }
0x47: {  	_ =	shalt  }
0x48: {  	_ =	shalt  }
0x49: {  	_ =	shalt  }
0x4a: {  	_ =	shalt  }
0x4b: {  	_ =	shalt  }
0x4c: {  	_ =	shalt  }
0x4d: {  	_ =	shalt  }
0x4e: {  	_ =	shalt  }
0x4f: {  	_ =	shalt  }
0x50: {  	_ =	shalt  }
0x51: {  	_ =	shalt  }
0x52: {  	_ =	shalt  }
0x53: {  	_ =	shalt  }
0x54: {  	_ =	shalt  }
0x55: {  	_ =	shalt  }
0x56: {  	_ =	shalt  }
0x57: {  	_ =	shalt  }
0x58: {  	_ =	shalt  }
0x59: {  	_ =	shalt  }
0x5a: {  	_ =	shalt  }
0x5b: {  	_ =	shalt  }
0x5c: {  	_ =	shalt  }
0x5d: {  	_ =	shalt  }
0x5e: {  	_ =	shalt  }
0x5f: {  	_ =	shalt  }
0x60: {  	_ =	shalt  }
0x61: {  	_ =	shalt  }
0x62: {  	_ =	shalt  }
0x63: {  	_ =	shalt  }
0x64: {  	_ =	shalt  }
0x65: {  	_ =	shalt  }
0x66: {  	_ =	shalt  }
0x67: {  	_ =	shalt  }
0x68: {  	_ =	shalt  }
0x69: {  	_ =	shalt  }
0x6a: {  	_ =	shalt  }
0x6b: {  	_ =	shalt  }
0x6c: {  	_ =	shalt  }
0x6d: {  	_ =	shalt  }
0x6e: {  	_ =	shalt  }
0x6f: {  	_ =	shalt  }
0x70: {  	_ =	shalt  }
0x71: {  	_ =	shalt  }
0x72: {  	_ =	shalt  }
0x73: {  	_ =	shalt  }
0x74: {  	_ =	shalt  }
0x75: {  	_ =	shalt  }
0x76: {  	_ =	shalt  }
0x77: {  	_ =	shalt  }
0x78: {  	_ =	shalt  }
0x79: {  	_ =	shalt  }
0x7a: {  	_ =	shalt  }
0x7b: {  	_ =	shalt  }
0x7c: {  	_ =	shalt  }
0x7d: {  	_ =	shalt  }
0x7e: {  	_ =	shalt  }
0x7f: {  	_ =	shalt  }
0x80: {  	_ =	shalt  }
0x81: {  	_ =	shalt  }
0x82: {  	_ =	shalt  }
0x83: {  	_ =	shalt  }
0x84: {  	_ =	shalt  }
0x85: {  	_ =	shalt  }
0x86: {  	_ =	shalt  }
0x87: {  	_ =	shalt  }
.Lfunc_end0:
.L_simem_size_0:
called_computation_lowered:
.L_overlay_start_0:
0x88: {  	s2 =	sld [smem:$0x3FD9]  }
0x89: {  	s3 =	sld [smem:$0x3FFE];
	_ =	sdelay $0x1  }
0x8a: {  	s1 =	srdreg.scid  }
0x8b: {  	s0 =	sand.u32 $0x1, s1  }
0x8c: {  	s17 =	sshll.u32 s0, $0xA;
	s2 =	sadd.s32 s3, s2  }
0x8d: {  	s2 =	sadd.s32 s2, s17  }
0x8e: {  	[smem:$0x3FB7] =	sst s2  }
0x8f: {  	_ = 	snop  }
0x90: {  	s2 =	sld [smem:$0x3FC9];
	(tm) =	ssettm $0x1  }
0x91: {  	s18 =	sld [smem:$0x3FFB];
	_ =	sdelay $0x3  }
0x92: {  	_ =	strace s18  }
0x93: {  	s3 =	sld [smem:$0x3FFC];
	_ =	sdelay $0x3  }
0x94: {  	_ =	strace s3  }
0x95: {  	s3 =	sld [smem:$0x3FFD];
	_ =	sdelay $0x3  }
0x96: {  	_ =	strace s3  }
0x97: {  	_ =	strace $0x8FFFFFFF  }
0x98: {  	s19 =	sld [smem:$0x3FDB];
	_ =	sdelay $0x1  }
0x99: {  	s4 =	simm.s32 $_scs_section_size  }
0x9a: {  	s5 =	simm.s32 $_size__tile_overlayer_lowered;
	s6 =	simm.s32 $_tile_overlayer_lowered  }
0x9b: {  	s22 =	simm.s32 $0x1BFF;
	s21 =	sshll.u32 s6, $0x1;
	s3 =	sadd.s32 s4, s19  }
0x9c: {  	s7 =	simm.s32 $0x0;
	s20 =	sshll.u32 s5, $0x1;
	s5 =	sadd.s32 s21, s3  }
0x9d: {  	[timem:s7], [sflag:s22] =	dma.local [hbm:s5], s20  }
0x9e: {  	_ =	swait.ge [sflag:s22], s20  }
0x9f: {  	s4 =	ssub.s32 $0x0, s20;
	[sflag:s22] =	ssyncset.done $0x0  }
0xa0: {  	[sflag:s22] =	ssyncadd.s32 s4;
	_ =	sdelay $0x1  }
0xa1: {  	s23 =	simm.s32 $0x1B8B  }
0xa2: {  	_ =	swait.ge [sflag:s23], $0x1  }
0xa3: {  	[sflag:s23] =	ssyncset.done $0x0  }
0xa4: {  	s25 =	simm.s32 $0x1B8E;
	s24 =	sld [smem:$0x3FFE];
	[sflag:s23] =	ssyncadd.s32 $0xFFFFFFFF  }
0xa5: {  	s26 =	simm.s32 $execute0_lowered;
	[smem:$0x3FD2] =	sst s25  }
0xa6: {  	s5 =	sshll.u32 s26, $0x1;
	_ =	strace $0x80000046;
	[dreg:$0x1] =	wrdreg $0xFFFFFFFF  }
0xa7: {  	s28 =	simm.s32 $_size_execute0_lowered;
	s3 =	sadd.s32 s3, s5;
	[dreg:$0x0] =	wrdreg $0x0  }
0xa8: {  	s5 =	sshll.u32 s28, $0x1;
	[dreg:$0x2] =	wrdreg s3  }
0xa9: {  	[dreg:$0x3] =	wrdreg s5  }
0xaa: {  	[dreg:$0x4] =	wrdreg $0xC0  }
0xab: {  	_ =	task [dreg:s7], $0x5FFFF  }
0xac: {  	[dreg:$0x1] =	wrdreg $0xFFFFFFFF  }
0xad: {  	[dreg:$0x0] =	wrdreg $0x60  }
0xae: {  	[dreg:$0x2] =	wrdreg s2  }
0xaf: {  	[dreg:$0x3] =	wrdreg s24  }
0xb0: {  	[dreg:$0x4] =	wrdreg $0x9  }
0xb1: {  	_ =	task.clear_ibuf [dreg:s7], $0x5FFFF;
	_ =	strace $0x90000046  }
0xb2: {  	s29 =	simm.s32 $0x9;
	_ =	strace $0x80000048  }
0xb3: {  	_ =	swait.ge [sflag:s29], $0x1  }
0xb4: {  	[sflag:s29] =	ssyncadd.s32 $0xFFFFFFFF  }
0xb5: {  	_ =	strace $0x90000048  }
0xb6: {  	_ =	sfence  }
0xb7: {  	s30 =	sld [smem:$0x0];
	_ =	sdelay $0x2  }
0xb8: {  	s31 =	sshll.u32 s1, $0xD;
	s1 =	sshrl.u32 s1, $0x2  }
0xb9: {  	s3 =	sand.u32 $0x4000, s31;
	s1 =	sadd.s32 s1, s30  }
0xba: {  	s0 =	sor.u32 s3, s0;
	s1 =	sshll.u32 s1, $0x11  }
0xbb: {  	s0 =	sor.u32 s1, s0  }
0xbc: {  	s0 =	sadd.s32 $0x8F2B, s0  }
0xbd: {  	[sflag:s0] =	ssyncadd.remote.s32 $0x1  }
0xbe: {  	_ =	sfence.sel $0xFFFF  }
0xbf: {  	[dreg:$0x0] =	wrdreg $0xFFFFFFFF;
	(pc) =	sbr.abs _section_cstart, $3  }
0xc0: {  	[dreg:$0x1] =	wrdreg $0xFFFFFFFF  }
0xc1: {  	_ =	task.clear_ibuf [dreg:s7], $0x2FFFF;
	_ =	strace $0x9FFFFFFF  }
0xc2: {  	(tm) =	ssettm $0x7FFFFFFF  }
0xc3: {  	_ =	shalt  }
tec
execute0_lowered:
.L_overlay_start_1:
0x0: {  	(tag) =	ssettag $0x1  }
0x1: {  	s0 =	srdreg.scid  }
0x2: {  	s5 =	stileid.u32;
	s2 =	rddreg [dreg:$0x0]  }
0x3: {  	s4 =	rddreg [dreg:$0x1];
	s3 =	simm.s32 $0x0;
	s24 =	simm.s32 $0x1C00  }
0x4: {  	s25 =	simm.s32 $0x2400;
	s7 =	simm.s32 $0x1400;
	s26 =	simm.s32 $0x2C00  }
0x5: {  	s8 =	simm.s32 $0x3400;
	s9 =	simm.s32 $0x3C00;
	s10 =	simm.s32 $0x4400  }
0x6: {  	s11 =	simm.s32 $0x4C00;
	s12 =	simm.s32 $0x5400;
	s13 =	simm.s32 $0x5C00  }
0x7: {  	s14 =	simm.s32 $0x6400;
	s15 =	simm.s32 $0x6C00;
	s16 =	simm.s32 $0x7400  }
0x8: {  	s17 =	simm.s32 $0x7C00;
	s18 =	simm.s32 $0x8400;
	s19 =	simm.s32 $0x8C00  }
0x9: {  	s20 =	simm.s32 $0x9400;
	s21 =	simm.s32 $0x9C00;
	s28 =	simm.s32 $0xCC00  }
0xa: {  	s29 =	simm.s32 $0xD400;
	s30 =	simm.s32 $0x1;
	s31 =	simm.s32 $0x0  }
0xb: {  	s0 =	sand.u32 $0x1, s0;
	s1 =	sshll.u32 s5, $0x1;
	[smem:$0x7FF] =	sst s3  }
0xc: {  	s5 =	smul.u32 $0x4E200, s5;
	_ =	strace $0x80000047;
	[dreg:$0x4] =	wrdreg s24  }
0xd: {  	s1 =	sor.u32 s0, s1;
	s6 =	smul.u32 $0x27100, s0;
	[dreg:$0x5] =	wrdreg s25  }
0xe: {  	s0 =	ssub.s32 $0x2, s0;
	[dreg:$0x6] =	wrdreg s26;
	s24 =	simm.s32 $0xB400  }
0xf: {  	s25 =	simm.s32 $0xBC00;
	s1 =	smul.u32 $0x1388, s1;
	s22 =	sshrl.u32 s0, $0x1  }
0x10: {  	s26 =	simm.s32 $0xC400;
	s5 =	sadd.s32 s5, s4;
	s0 =	ssub.s32 s0, s22  }
0x11: {  	s5 =	sadd.s32 s6, s5;
	s1 =	sshrl.u32 s1, $0x3;
	s0 =	smax.u32 s0, $0x1  }
0x12: {  	v2 =	vlaneseq.u32;
	s23 =	sadd.s32 $0x7F400, s5;
	s1 =	sadd.s32 s1, s4;
	[dreg:$0x8] =	wrdreg s0  }
0x13: {  	vm0 =	vmmov $0xffff;
	v1 =	vshrl.u32 v2, $0x3;
	s6 =	simm.s32 $0x2;
	[dreg:$0x3] =	wrdreg s23;
	s1 =	sadd.s32 $0x7A400, s1  }
0x14: {  	v0 =	vand.u32 $0x7, v2;
	v2 =	vor.u32 $0x8, v2;
	v1 =	vmul.u32 $0x8, v1;
	s22 =	simm.s32 $0xA400;
	s23 =	simm.s32 $0xAC00;
	[dreg:$0x7] =	wrdreg s1  }
.LBB2_1:
0x15: {  	s0 =	rddreg [dreg:$0x7]  }
0x16: {  	[tilespmem:s3], [sflag:$0x2] =	stream.linear.gather [hbm4b:s0+s3], $0x1388, $0x38;
	[tilespmem:$0xDC00] =	vst v63  }
0x17: {  	_ =	swait.ge [sflag:s6], $0x1388  }
0x18: {  	[sflag:s6] =	ssyncset.done $0x0  }
0x19: {  	s1 =	simm.s32 $0x60;
	s0 =	simm.s32 $0x0;
	[sflag:s6] =	ssyncadd.s32 $0xFFFFEC78  }
.LBB2_2:
0x1a: {  	v3 =	vld [tilespmem:s1+$0xFFFFFFA0];
	_ =	sdelay $0x4  }
0x1b: {  	v4 =	vshll.u32 v3, $0x1  }
0x1c: {  	v3 =	vand.u32 $0x7, v3;
	v4 =	vand.u32 $0xFFFFFFF0, v4  }
0x1d: {  	v3 =	vor.u32 v3, v4  }
0x1e: {  	v4 =	vperm.xlane v3, v0;
	_ =	sdelay $0x1  }
0x1f: {  	v3 =	vperm.xlane v3, v2;
	v4 =	vadd.s32 v1, v4;
	_ =	sdelay $0x1  }
0x20: {  	v3 =	vadd.s32 v1, v3;
	_ =	sdelay $0x2  }
0x21: {  	[tilespmem:s7], [sflag:$0x1] =	stream.indirect_vreg.gather [hbm4b:s2+s3], $0x80, v4, vm0, $0xb8;
	[tilespmem:$0xDC00] =	vst v63  }
0x22: {  	s4 =	rddreg [dreg:$0x4]  }
0x23: {  	[tilespmem:s4], [sflag:$0x1] =	stream.indirect_vreg.gather [hbm4b:s2+s3], $0x80, v3, vm0, $0xb8;
	[tilespmem:$0xDC00] =	vst v63  }
0x24: {  	v3 =	vld [tilespmem:s1+$0xFFFFFFB0];
	_ =	sdelay $0x4  }
0x25: {  	v52 =	vshll.u32 v3, $0x1  }
0x26: {  	v3 =	vand.u32 $0x7, v3;
	v4 =	vand.u32 $0xFFFFFFF0, v52  }
0x27: {  	v3 =	vor.u32 v3, v4  }
0x28: {  	v4 =	vperm.xlane v3, v0;
	_ =	sdelay $0x1  }
0x29: {  	v3 =	vperm.xlane v3, v2;
	v4 =	vadd.s32 v1, v4;
	_ =	sdelay $0x1  }
0x2a: {  	v3 =	vadd.s32 v1, v3;
	_ =	sdelay $0x1  }
0x2b: {  	s4 =	rddreg [dreg:$0x5]  }
0x2c: {  	[tilespmem:s4], [sflag:$0x1] =	stream.indirect_vreg.gather [hbm4b:s2+s3], $0x80, v4, vm0, $0xb8;
	[tilespmem:$0xDC00] =	vst v63  }
0x2d: {  	s5 =	rddreg [dreg:$0x6]  }
0x2e: {  	[tilespmem:s5], [sflag:$0x1] =	stream.indirect_vreg.gather [hbm4b:s2+s3], $0x80, v3, vm0, $0xb8;
	[tilespmem:$0xDC00] =	vst v63  }
0x2f: {  	v3 =	vld [tilespmem:s1+$0xFFFFFFC0];
	_ =	sdelay $0x4  }
0x30: {  	v53 =	vshll.u32 v3, $0x1  }
0x31: {  	v3 =	vand.u32 $0x7, v3;
	v4 =	vand.u32 $0xFFFFFFF0, v53  }
0x32: {  	v3 =	vor.u32 v3, v4  }
0x33: {  	v4 =	vperm.xlane v3, v0;
	_ =	sdelay $0x1  }
0x34: {  	v3 =	vperm.xlane v3, v2;
	v4 =	vadd.s32 v1, v4;
	_ =	sdelay $0x1  }
0x35: {  	v3 =	vadd.s32 v1, v3;
	_ =	sdelay $0x2  }
0x36: {  	[tilespmem:s8], [sflag:$0x1] =	stream.indirect_vreg.gather [hbm4b:s2+s3], $0x80, v4, vm0, $0xb8;
	[tilespmem:$0xDC00] =	vst v63  }
0x37: {  	_ = 	snop  }
0x38: {  	[tilespmem:s9], [sflag:$0x1] =	stream.indirect_vreg.gather [hbm4b:s2+s3], $0x80, v3, vm0, $0xb8;
	[tilespmem:$0xDC00] =	vst v63  }
0x39: {  	v3 =	vld [tilespmem:s1+$0xFFFFFFD0];
	_ =	sdelay $0x4  }
0x3a: {  	v54 =	vshll.u32 v3, $0x1  }
0x3b: {  	v3 =	vand.u32 $0x7, v3;
	v4 =	vand.u32 $0xFFFFFFF0, v54  }
0x3c: {  	v3 =	vor.u32 v3, v4  }
0x3d: {  	v4 =	vperm.xlane v3, v0;
	_ =	sdelay $0x1  }
0x3e: {  	v3 =	vperm.xlane v3, v2;
	v4 =	vadd.s32 v1, v4;
	_ =	sdelay $0x1  }
0x3f: {  	v3 =	vadd.s32 v1, v3;
	_ =	sdelay $0x2  }
0x40: {  	[tilespmem:s10], [sflag:$0x1] =	stream.indirect_vreg.gather [hbm4b:s2+s3], $0x80, v4, vm0, $0xb8;
	[tilespmem:$0xDC00] =	vst v63  }
0x41: {  	_ = 	snop  }
0x42: {  	[tilespmem:s11], [sflag:$0x1] =	stream.indirect_vreg.gather [hbm4b:s2+s3], $0x80, v3, vm0, $0xb8;
	[tilespmem:$0xDC00] =	vst v63  }
0x43: {  	v3 =	vld [tilespmem:s1+$0xFFFFFFE0];
	_ =	sdelay $0x4  }
0x44: {  	v55 =	vshll.u32 v3, $0x1  }
0x45: {  	v3 =	vand.u32 $0x7, v3;
	v4 =	vand.u32 $0xFFFFFFF0, v55  }
0x46: {  	v3 =	vor.u32 v3, v4  }
0x47: {  	v4 =	vperm.xlane v3, v0;
	_ =	sdelay $0x1  }
0x48: {  	v3 =	vperm.xlane v3, v2;
	v4 =	vadd.s32 v1, v4;
	_ =	sdelay $0x1  }
0x49: {  	v3 =	vadd.s32 v1, v3;
	_ =	sdelay $0x2  }
0x4a: {  	[tilespmem:s12], [sflag:$0x1] =	stream.indirect_vreg.gather [hbm4b:s2+s3], $0x80, v4, vm0, $0xb8;
	[tilespmem:$0xDC00] =	vst v63  }
0x4b: {  	_ = 	snop  }
0x4c: {  	[tilespmem:s13], [sflag:$0x1] =	stream.indirect_vreg.gather [hbm4b:s2+s3], $0x80, v3, vm0, $0xb8;
	[tilespmem:$0xDC00] =	vst v63  }
0x4d: {  	v3 =	vld [tilespmem:s1+$0xFFFFFFF0];
	_ =	sdelay $0x4  }
0x4e: {  	v56 =	vshll.u32 v3, $0x1  }
0x4f: {  	v3 =	vand.u32 $0x7, v3;
	v4 =	vand.u32 $0xFFFFFFF0, v56  }
0x50: {  	v3 =	vor.u32 v3, v4  }
0x51: {  	v4 =	vperm.xlane v3, v0;
	_ =	sdelay $0x1  }
0x52: {  	v3 =	vperm.xlane v3, v2;
	v4 =	vadd.s32 v1, v4;
	_ =	sdelay $0x1  }
0x53: {  	v3 =	vadd.s32 v1, v3;
	_ =	sdelay $0x2  }
0x54: {  	[tilespmem:s14], [sflag:$0x1] =	stream.indirect_vreg.gather [hbm4b:s2+s3], $0x80, v4, vm0, $0xb8;
	[tilespmem:$0xDC00] =	vst v63  }
0x55: {  	_ = 	snop  }
0x56: {  	[tilespmem:s15], [sflag:$0x1] =	stream.indirect_vreg.gather [hbm4b:s2+s3], $0x80, v3, vm0, $0xb8;
	[tilespmem:$0xDC00] =	vst v63  }
0x57: {  	v3 =	vld [tilespmem:s1+$0x0];
	_ =	sdelay $0x4  }
0x58: {  	v57 =	vshll.u32 v3, $0x1  }
0x59: {  	v3 =	vand.u32 $0x7, v3;
	v4 =	vand.u32 $0xFFFFFFF0, v57  }
0x5a: {  	v3 =	vor.u32 v3, v4  }
0x5b: {  	v4 =	vperm.xlane v3, v0;
	_ =	sdelay $0x1  }
0x5c: {  	v3 =	vperm.xlane v3, v2;
	v4 =	vadd.s32 v1, v4;
	_ =	sdelay $0x1  }
0x5d: {  	v3 =	vadd.s32 v1, v3;
	_ =	sdelay $0x2  }
0x5e: {  	[tilespmem:s16], [sflag:$0x1] =	stream.indirect_vreg.gather [hbm4b:s2+s3], $0x80, v4, vm0, $0xb8;
	[tilespmem:$0xDC00] =	vst v63  }
0x5f: {  	_ = 	snop  }
0x60: {  	[tilespmem:s17], [sflag:$0x1] =	stream.indirect_vreg.gather [hbm4b:s2+s3], $0x80, v3, vm0, $0xb8;
	[tilespmem:$0xDC00] =	vst v63  }
0x61: {  	v3 =	vld [tilespmem:s1+$0x10];
	_ =	sdelay $0x4  }
0x62: {  	v58 =	vshll.u32 v3, $0x1  }
0x63: {  	v3 =	vand.u32 $0x7, v3;
	v4 =	vand.u32 $0xFFFFFFF0, v58  }
0x64: {  	v3 =	vor.u32 v3, v4  }
0x65: {  	v4 =	vperm.xlane v3, v0;
	_ =	sdelay $0x1  }
0x66: {  	v3 =	vperm.xlane v3, v2;
	v4 =	vadd.s32 v1, v4;
	_ =	sdelay $0x1  }
0x67: {  	v3 =	vadd.s32 v1, v3;
	_ =	sdelay $0x2  }
0x68: {  	[tilespmem:s18], [sflag:$0x1] =	stream.indirect_vreg.gather [hbm4b:s2+s3], $0x80, v4, vm0, $0xb8;
	[tilespmem:$0xDC00] =	vst v63  }
0x69: {  	_ = 	snop  }
0x6a: {  	[tilespmem:s19], [sflag:$0x1] =	stream.indirect_vreg.gather [hbm4b:s2+s3], $0x80, v3, vm0, $0xb8;
	[tilespmem:$0xDC00] =	vst v63  }
0x6b: {  	v3 =	vld [tilespmem:s1+$0x20];
	_ =	sdelay $0x4  }
0x6c: {  	v59 =	vshll.u32 v3, $0x1  }
0x6d: {  	v3 =	vand.u32 $0x7, v3;
	v4 =	vand.u32 $0xFFFFFFF0, v59  }
0x6e: {  	v3 =	vor.u32 v3, v4  }
0x6f: {  	v4 =	vperm.xlane v3, v0;
	_ =	sdelay $0x1  }
0x70: {  	v3 =	vperm.xlane v3, v2;
	v4 =	vadd.s32 v1, v4;
	_ =	sdelay $0x1  }
0x71: {  	v3 =	vadd.s32 v1, v3;
	_ =	sdelay $0x2  }
0x72: {  	[tilespmem:s20], [sflag:$0x1] =	stream.indirect_vreg.gather [hbm4b:s2+s3], $0x80, v4, vm0, $0xb8;
	[tilespmem:$0xDC00] =	vst v63  }
0x73: {  	_ = 	snop  }
0x74: {  	[tilespmem:s21], [sflag:$0x1] =	stream.indirect_vreg.gather [hbm4b:s2+s3], $0x80, v3, vm0, $0xb8;
	[tilespmem:$0xDC00] =	vst v63  }
0x75: {  	v3 =	vld [tilespmem:s1+$0x30];
	_ =	sdelay $0x4  }
0x76: {  	v60 =	vshll.u32 v3, $0x1  }
0x77: {  	v3 =	vand.u32 $0x7, v3;
	v4 =	vand.u32 $0xFFFFFFF0, v60  }
0x78: {  	v3 =	vor.u32 v3, v4  }
0x79: {  	v4 =	vperm.xlane v3, v0;
	_ =	sdelay $0x1  }
0x7a: {  	v3 =	vperm.xlane v3, v2;
	v4 =	vadd.s32 v1, v4;
	_ =	sdelay $0x1  }
0x7b: {  	v3 =	vadd.s32 v1, v3;
	_ =	sdelay $0x2  }
0x7c: {  	[tilespmem:s22], [sflag:$0x1] =	stream.indirect_vreg.gather [hbm4b:s2+s3], $0x80, v4, vm0, $0xb8;
	[tilespmem:$0xDC00] =	vst v63  }
0x7d: {  	_ = 	snop  }
0x7e: {  	[tilespmem:s23], [sflag:$0x1] =	stream.indirect_vreg.gather [hbm4b:s2+s3], $0x80, v3, vm0, $0xb8;
	[tilespmem:$0xDC00] =	vst v63  }
0x7f: {  	v3 =	vld [tilespmem:s1+$0x40];
	_ =	sdelay $0x4  }
0x80: {  	v61 =	vshll.u32 v3, $0x1  }
0x81: {  	v3 =	vand.u32 $0x7, v3;
	v4 =	vand.u32 $0xFFFFFFF0, v61  }
0x82: {  	v3 =	vor.u32 v3, v4  }
0x83: {  	v4 =	vperm.xlane v3, v0;
	_ =	sdelay $0x1  }
0x84: {  	v3 =	vperm.xlane v3, v2;
	v4 =	vadd.s32 v1, v4;
	_ =	sdelay $0x1  }
0x85: {  	v3 =	vadd.s32 v1, v3;
	_ =	sdelay $0x2  }
0x86: {  	[tilespmem:s24], [sflag:$0x1] =	stream.indirect_vreg.gather [hbm4b:s2+s3], $0x80, v4, vm0, $0xb8;
	[tilespmem:$0xDC00] =	vst v63  }
0x87: {  	_ = 	snop  }
0x88: {  	[tilespmem:s25], [sflag:$0x1] =	stream.indirect_vreg.gather [hbm4b:s2+s3], $0x80, v3, vm0, $0xb8;
	[tilespmem:$0xDC00] =	vst v63  }
0x89: {  	v3 =	vld [tilespmem:s1+$0x50];
	_ =	sdelay $0x4  }
0x8a: {  	v62 =	vshll.u32 v3, $0x1  }
0x8b: {  	v3 =	vand.u32 $0x7, v3;
	v4 =	vand.u32 $0xFFFFFFF0, v62  }
0x8c: {  	v3 =	vor.u32 v3, v4  }
0x8d: {  	v4 =	vperm.xlane v3, v0;
	_ =	sdelay $0x1  }
0x8e: {  	v3 =	vperm.xlane v3, v2;
	v4 =	vadd.s32 v1, v4;
	_ =	sdelay $0x1  }
0x8f: {  	v3 =	vadd.s32 v1, v3;
	_ =	sdelay $0x2  }
0x90: {  	[tilespmem:s26], [sflag:$0x1] =	stream.indirect_vreg.gather [hbm4b:s2+s3], $0x80, v4, vm0, $0xb8;
	[tilespmem:$0xDC00] =	vst v63  }
0x91: {  	_ = 	snop  }
0x92: {  	[tilespmem:s28], [sflag:$0x1] =	stream.indirect_vreg.gather [hbm4b:s2+s3], $0x80, v3, vm0, $0xb8;
	[tilespmem:$0xDC00] =	vst v63  }
0x93: {  	v3 =	vld.msk [tilespmem:s1+$0x60], $0xff;
	_ =	sdelay $0x4  }
0x94: {  	v63 =	vshll.u32 v3, $0x1  }
0x95: {  	v3 =	vand.u32 $0x7, v3;
	v4 =	vand.u32 $0xFFFFFFF0, v63  }
0x96: {  	v3 =	vor.u32 v3, v4  }
0x97: {  	v3 =	vperm.xlane v3, v0;
	_ =	sdelay $0x1  }
0x98: {  	v3 =	vadd.s32 v1, v3;
	_ =	sdelay $0x4  }
0x99: {  	[tilespmem:s29], [sflag:$0x1] =	stream.indirect_vreg.gather [hbm4b:s2+s3], $0x80, v3, vm0, $0xb8;
	[tilespmem:$0xDC00] =	vst v63  }
0x9a: {  	_ =	swait.ge [sflag:s30], $0xC800  }
0x9b: {  	p0 =	sne.s32 s0, $0x25800;
	s5 =	rddreg [dreg:$0x3];
	[sflag:s30] =	ssyncset.done $0x0  }
.Ltmp0:
0x9c: {  	[sflag:s30] =	ssyncadd.s32 $0xFFFF3800;
	s4 =	sadd.s32 s0, s5;
	(pc) =	sbr.rel @p0 .LBB2_2-.Ltmp0, $4  }
0x9d: {  	[hbm4b:s4+s3] =	stream.linear.scatter [tilespmem:s7], [sflag:$0x2], $0xC800, $0x38;
	[tilespmem:$0xDC00] =	vst v63  }
0x9e: {  	_ =	swait.ge [sflag:s6], $0xC800  }
0x9f: {  	[sflag:s6] =	ssyncset.done $0x0  }
0xa0: {  	s1 =	sadd.s32 $0xC8, s1;
	s0 =	sadd.s32 $0x1900, s0;
	[sflag:s6] =	ssyncadd.s32 $0xFFFF3800  }
0xa1: {  	s31 =	sadd.s32 $0x1, s31;
	s0 =	rddreg [dreg:$0x8]  }
0xa2: {  	p0 =	sne.s32 s31, s0  }
.Ltmp1:
0xa3: {  	_ = 	snop;
	(pc) =	sbr.rel @p0 .LBB2_1-.Ltmp1, $1  }
0xa4: {  	_ =	sdelay $0x3  }
0xa5: {  	_ =	sfence.sel $0x180000  }
0xa6: {  	[bflag:$0x0] =	sbarrier.arrive $0xFFFF  }
0xa7: {  	_ =	strace $0x90000047  }
0xa8: {  	s0 =	stileid.u32;
	[bflag:$0x2] =	sbarrier.arrive $0xFFFF  }
0xa9: {  	p0 =	sne.s32 s0, $0x0;
	s0 =	rddreg [dreg:$0x2]  }
0xaa: {  	s0 =	sadd.s32 @!p0 $0x100000, s0  }
0xab: {  	[sflag:s0] =	ssyncadd.tile.s32 @!p0 $0x1;
	_ =	shalt  }
.Lfunc_end2:
_tile_overlayer_lowered:
.L_overlay_start_2:
0xac: {  	(tag) =	ssettag $0x2  }
0xad: {  	s0 =	rddreg [dreg:$0x0];
	s2 =	stileid.u32  }
0xae: {  	s1 =	rddreg [dreg:$0x1];
	p0 =	sne.s32 s2, $0x0  }
0xaf: {  	s3 =	rddreg [dreg:$0x2];
	[bflag:$0x3] =	sbarrier.arrive $0xFFFF;
	s2 =	simm.s32 @!p0 $0x1C02  }
0xb0: {  	[timem:s3], [sflag:s2] =	dma.local @!p0 [hbm:s0], s1  }
0xb1: {  	s0 =	simm.s32 @!p0 $0x2  }
0xb2: {  	_ =	swait.ge @!p0 [sflag:s0], s1  }
0xb3: {  	s1 =	ssub.s32 @!p0 $0x0, s1;
	[sflag:s0] =	ssyncset.done @!p0 $0x0  }
0xb4: {  	[sflag:s0] =	ssyncadd.s32 @!p0 s1  }
0xb5: {  	[bflag:$0x3] =	sbarrier.arrive $0xFFFF  }
0xb6: {  	_ =	shalt  }

</sc_bundles>
